<compile_context>
chip_gen: v7x
topology: tpu7x:2x2x1
jax: 0.10.2.dev20260603
libtpu: 0.0.44.dev20260713+nightly
codegen_flags: <defaults>
</compile_context>

<pallas_src>
import functools

import jax
import jax.numpy as jnp
from jax import lax
from jax.experimental import pallas as pl
from jax.experimental.pallas import tpu as pltpu
from jax.experimental.pallas import tpu_sc as plsc

EMB = 64
META_DIM = 32
INPUT_DIM = 2 * EMB + META_DIM
FUSION = EMB + EMB // 2
TOP_KK = 50
SEL_KK = 40
IB_DIM = 512
HID_DIM = 256
BETA_C = 1e-11


def _dot(a, b):
    return jax.lax.dot_general(a, b, (((1,), (0,)), ((), ())),
                               preferred_element_type=jnp.float32)


def _dot_t(a, b):
    return jax.lax.dot_general(a, b, (((1,), (1,)), ((), ())),
                               preferred_element_type=jnp.float32)


def _query_body(tv, iv, mf, tW, tb, iW, ib_, q_ref):
    q_ref[:, 0:EMB] = _dot(tv[...], tW[...]) + tb[...]
    q_ref[:, EMB:2 * EMB] = _dot(iv[...], iW[...]) + ib_[...]
    q_ref[:, 2 * EMB:INPUT_DIM] = mf[...]


def _score_body(q, itext, iimg, imeta, tW, tb, iW, ib_, imgid,
                s_ref, emb_ref, m32_ref, *, n_items, tn, grp):
    j = pl.program_id(0)
    it = _dot(itext[...], tW[...]) + tb[...]
    ii = _dot(iimg[...], iW[...]) + ib_[...]
    emb = jnp.concatenate([it, ii, imeta[...]], axis=1)
    emb_ref[...] = jnp.concatenate(
        [emb, jnp.zeros((emb.shape[0], 256 - INPUT_DIM), jnp.float32)], axis=1)
    qm = q[...]
    s = _dot_t(qm, emb)
    col = j * tn + jax.lax.broadcasted_iota(jnp.int32, (1, tn), 1)
    bad = (col >= n_items) | (col == imgid[...])
    s_ref[...] = jnp.where(bad, -1e9, s)
    st = jax.lax.dot_general(emb, qm, (((1,), (1,)), ((), ())),
                             preferred_element_type=jnp.float32)
    colt = j * tn + jax.lax.broadcasted_iota(jnp.int32, (tn, 1), 0)
    badt = (colt >= n_items) | (colt == imgid[...].reshape(1, -1))
    st = jnp.where(badt, -1e9, st)
    b_dim = st.shape[1]
    m32_ref[...] = jnp.max(st.reshape(tn // grp, grp, b_dim), axis=1)


def _grpsel_body(m32, gids_ref, cur_ref, iota_ref, *, nsel):
    cur_ref[...] = m32[...]
    iota_ref[...] = jax.lax.broadcasted_iota(jnp.int32, cur_ref.shape, 0)
    gids_ref[...] = jnp.zeros_like(gids_ref)
    krow = jax.lax.broadcasted_iota(jnp.int32, gids_ref.shape, 0)

    def body(k, carry):
        cur = cur_ref[...]
        m = jnp.max(cur, axis=0, keepdims=True)
        hit = cur == m
        gid = jnp.min(jnp.where(hit, iota_ref[...], 2**30), axis=0,
                      keepdims=True)
        gids_ref[...] = jnp.where(krow == k, gid, gids_ref[...])
        cur_ref[...] = jnp.where(hit & (iota_ref[...] == gid), -3e38, cur)
        return carry

    jax.lax.fori_loop(0, nsel, body, 0)


def _topsel_body(candv, candi, ts_ref, ti_ref, cur_ref, *, k_out):
    cur_ref[...] = candv[...]
    ci = candi[...]
    ts_ref[...] = jnp.zeros_like(ts_ref)
    ti_ref[...] = jnp.zeros_like(ti_ref)
    kcol = jax.lax.broadcasted_iota(jnp.int32, ts_ref.shape, 1)

    def body(k, carry):
        cur = cur_ref[...]
        m = jnp.max(cur, axis=1, keepdims=True)
        hit = cur == m
        idx = jnp.min(jnp.where(hit, ci, 2**30), axis=1, keepdims=True)
        ts_ref[...] = jnp.where(kcol == k, m, ts_ref[...])
        ti_ref[...] = jnp.where(kcol == k, idx, ti_ref[...])
        cur_ref[...] = jnp.where(hit & (ci == idx), -3e38, cur)
        return carry

    jax.lax.fori_loop(0, k_out, body, 0)


def _layernorm(x, g, b):
    m = jnp.mean(x, axis=1, keepdims=True)
    v = jnp.mean((x - m) * (x - m), axis=1, keepdims=True)
    return (x - m) * jax.lax.rsqrt(v + 1e-5) * g + b


def _tail_body(q, cand, ts,
               encW, encb, muW, mub, lvW, lvb, qencW, qencb,
               qpW, qpb, jpWq, jpWc, jpb, Wv, bv, Wo, bo,
               ln1g, ln1b, ff1W, ff1b, ff2W, ff2b, ln2g, ln2b,
               rg1W, rg1b, rg2W, rg2b,
               out_ref, kl_ref, *, bb):
    @pl.when(pl.program_id(0) == 0)
    def _():
        kl_ref[...] = jnp.zeros_like(kl_ref)

    qm = q[...]
    h = jnp.maximum(_dot(cand[...], encW[...]) + encb[...], 0.0)
    mu = _dot(h, muW[...]) + mub[...]
    lv = _dot(h, lvW[...]) + lvb[...]
    kl_ref[...] += jnp.sum(1.0 + lv - mu * mu - jnp.exp(lv)).reshape(1, 1)

    qh = jnp.maximum(_dot(qm, qencW[...]) + qencb[...], 0.0)
    h3 = h.reshape(bb, TOP_KK, HID_DIM)
    rowm = jnp.sum(h3 * qh[:, None, :], axis=2) * (1.0 / 16.0) + ts[...]

    NEG = jnp.float32(-1e30)
    cur = rowm
    sel = jnp.zeros(rowm.shape, jnp.bool_)
    for _ in range(SEL_KK):
        m = jnp.max(cur, axis=1, keepdims=True)
        hit = cur == m
        sel = sel | hit
        cur = jnp.where(hit, NEG, cur)

    mx = jnp.max(jnp.where(sel, rowm, NEG), axis=1, keepdims=True)
    e = jnp.where(sel, jnp.exp(rowm - mx), 0.0)
    attn = e / jnp.sum(e, axis=1, keepdims=True)

    mu3 = mu.reshape(bb, TOP_KK, IB_DIM)
    ctx = jnp.sum(mu3 * attn[:, :, None], axis=1)

    qp = _dot(qm, qpW[...]) + qpb[...]
    joint = _dot(qm, jpWq[...]) + _dot(ctx, jpWc[...]) + jpb[...]
    o = _dot(_dot(joint, Wv[...]) + bv[...], Wo[...]) + bo[...]
    x = _layernorm(qp + o, ln1g[...], ln1b[...])
    f = _dot(jnp.maximum(_dot(x, ff1W[...]) + ff1b[...], 0.0), ff2W[...]) + ff2b[...]
    x = _layernorm(x + f, ln2g[...], ln2b[...])
    out = _dot(jnp.maximum(_dot(x, rg1W[...]) + rg1b[...], 0.0), rg2W[...]) + rg2b[...]
    out_ref[...] = out


def _sc_gather_rows(table, idx, d_dim):
    m = idx.shape[0]
    nw = 32
    per_w = m // nw
    ch = 80
    n_ch = per_w // ch
    mesh = plsc.VectorSubcoreMesh(core_axis_name="c", subcore_axis_name="s")

    @functools.partial(
        pl.kernel, mesh=mesh,
        out_type=jax.ShapeDtypeStruct((m, d_dim), jnp.float32),
        scratch_types=[
            pltpu.VMEM((ch,), jnp.int32),
            pltpu.VMEM((ch, d_dim), jnp.float32),
            pltpu.SemaphoreType.DMA,
        ],
    )
    def k(table_hbm, idx_hbm, out_hbm, idx_v, rows_v, sem):
        wid = lax.axis_index("s") * 2 + lax.axis_index("c")
        base = wid * per_w

        def chunk(i, carry):
            off = base + i * ch
            pltpu.sync_copy(idx_hbm.at[pl.ds(off, ch)], idx_v)
            pltpu.async_copy(table_hbm.at[idx_v], rows_v, sem).wait()
            pltpu.sync_copy(rows_v, out_hbm.at[pl.ds(off, ch)])
            return carry

        lax.fori_loop(0, n_ch, chunk, 0)

    return k(table, idx)


def kernel(text_vec, img_vec_pool, meta_features, img_vec_cls, user_id,
           image_id, items_id, items_text, items_img, items_meta, params):
    del img_vec_pool, user_id, items_id
    p = params
    B = text_vec.shape[0]
    N = items_text.shape[0]

    def r2(v):
        return v.reshape(1, -1)

    query = pl.pallas_call(
        _query_body,
        out_shape=jax.ShapeDtypeStruct((B, INPUT_DIM), jnp.float32),
    )(text_vec, img_vec_cls, meta_features,
      p['text_W'], r2(p['text_b']), p['img_W'], r2(p['img_b']))

    TN = 1024
    GRP = 32
    NSEL = 56
    G = pl.cdiv(N, TN)
    NG = G * TN // GRP
    imeta = items_meta.reshape(N, META_DIM)
    imgid2 = image_id.reshape(B, 1)
    scores, items_emb, m32 = pl.pallas_call(
        functools.partial(_score_body, n_items=N, tn=TN, grp=GRP),
        grid=(G,),
        in_specs=[
            pl.BlockSpec((B, INPUT_DIM), lambda j: (0, 0)),
            pl.BlockSpec((TN, 768), lambda j: (j, 0)),
            pl.BlockSpec((TN, 768), lambda j: (j, 0)),
            pl.BlockSpec((TN, META_DIM), lambda j: (j, 0)),
            pl.BlockSpec((768, EMB), lambda j: (0, 0)),
            pl.BlockSpec((1, EMB), lambda j: (0, 0)),
            pl.BlockSpec((768, EMB), lambda j: (0, 0)),
            pl.BlockSpec((1, EMB), lambda j: (0, 0)),
            pl.BlockSpec((B, 1), lambda j: (0, 0)),
        ],
        out_specs=[
            pl.BlockSpec((B, TN), lambda j: (0, j)),
            pl.BlockSpec((TN, 256), lambda j: (j, 0)),
            pl.BlockSpec((TN // GRP, B), lambda j: (j, 0)),
        ],
        out_shape=[
            jax.ShapeDtypeStruct((B, G * TN), jnp.float32),
            jax.ShapeDtypeStruct((G * TN, 256), jnp.float32),
            jax.ShapeDtypeStruct((NG, B), jnp.float32),
        ],
        compiler_params=pltpu.CompilerParams(
            dimension_semantics=("arbitrary",)),
    )(query, items_text, items_img, imeta,
      p['text_W'], r2(p['text_b']), p['img_W'], r2(p['img_b']), imgid2)

    QW = min(128, B)
    gids_t = pl.pallas_call(
        functools.partial(_grpsel_body, nsel=NSEL),
        grid=(B // QW,),
        in_specs=[pl.BlockSpec((NG, QW), lambda i: (0, i))],
        out_specs=pl.BlockSpec((NSEL, QW), lambda i: (0, i)),
        out_shape=jax.ShapeDtypeStruct((NSEL, B), jnp.int32),
        scratch_shapes=[pltpu.VMEM((NG, QW), jnp.float32),
                        pltpu.VMEM((NG, QW), jnp.int32)],
        compiler_params=pltpu.CompilerParams(
            dimension_semantics=("arbitrary",)),
    )(m32)

    gids = gids_t.T
    candi = (gids[:, :, None] * GRP
             + jnp.arange(GRP, dtype=jnp.int32)[None, None, :]).reshape(
                 B, NSEL * GRP)
    candv = jnp.take_along_axis(scores, candi, axis=1)

    BB4 = min(256, B)
    top_scores, top_idx = pl.pallas_call(
        functools.partial(_topsel_body, k_out=TOP_KK),
        grid=(B // BB4,),
        in_specs=[pl.BlockSpec((BB4, NSEL * GRP), lambda i: (i, 0)),
                  pl.BlockSpec((BB4, NSEL * GRP), lambda i: (i, 0))],
        out_specs=[pl.BlockSpec((BB4, TOP_KK), lambda i: (i, 0)),
                   pl.BlockSpec((BB4, TOP_KK), lambda i: (i, 0))],
        out_shape=[jax.ShapeDtypeStruct((B, TOP_KK), jnp.float32),
                   jax.ShapeDtypeStruct((B, TOP_KK), jnp.int32)],
        scratch_shapes=[pltpu.VMEM((BB4, NSEL * GRP), jnp.float32)],
        compiler_params=pltpu.CompilerParams(
            dimension_semantics=("arbitrary",)),
    )(candv, candi)

    cand = _sc_gather_rows(items_emb, top_idx.reshape(-1), 256)

    BB = 64
    jpWq = p['jp_W'][:INPUT_DIM]
    jpWc = p['jp_W'][INPUT_DIM:]
    const = lambda j: (0, 0)
    w_specs = []
    w_args = []
    encW_pad = jnp.concatenate(
        [p['enc_W'], jnp.zeros((256 - INPUT_DIM, HID_DIM), jnp.float32)], axis=0)
    for w, b_ in ((encW_pad, p['enc_b']), (p['mu_W'], p['mu_b']),
                  (p['lv_W'], p['lv_b']), (p['qenc_W'], p['qenc_b']),
                  (p['qp_W'], p['qp_b'])):
        w_specs += [pl.BlockSpec(w.shape, const), pl.BlockSpec((1, b_.shape[0]), const)]
        w_args += [w, r2(b_)]
    w_specs += [pl.BlockSpec(jpWq.shape, const), pl.BlockSpec(jpWc.shape, const),
                pl.BlockSpec((1, FUSION), const)]
    w_args += [jpWq, jpWc, r2(p['jp_b'])]
    for w, b_ in ((p['Wv'], p['bv']), (p['Wo'], p['bo'])):
        w_specs += [pl.BlockSpec(w.shape, const), pl.BlockSpec((1, b_.shape[0]), const)]
        w_args += [w, r2(b_)]
    for g_, b_ in ((p['ln1_g'], p['ln1_b']),):
        w_specs += [pl.BlockSpec((1, FUSION), const), pl.BlockSpec((1, FUSION), const)]
        w_args += [r2(g_), r2(b_)]
    for w, b_ in ((p['ff1_W'], p['ff1_b']), (p['ff2_W'], p['ff2_b'])):
        w_specs += [pl.BlockSpec(w.shape, const), pl.BlockSpec((1, b_.shape[0]), const)]
        w_args += [w, r2(b_)]
    for g_, b_ in ((p['ln2_g'], p['ln2_b']),):
        w_specs += [pl.BlockSpec((1, FUSION), const), pl.BlockSpec((1, FUSION), const)]
        w_args += [r2(g_), r2(b_)]
    for w, b_ in ((p['rg1_W'], p['rg1_b']), (p['rg2_W'], p['rg2_b'])):
        w_specs += [pl.BlockSpec(w.shape, const), pl.BlockSpec((1, b_.shape[0]), const)]
        w_args += [w, r2(b_)]

    out, klsum = pl.pallas_call(
        functools.partial(_tail_body, bb=BB),
        grid=(B // BB,),
        in_specs=[
            pl.BlockSpec((BB, INPUT_DIM), lambda i: (i, 0)),
            pl.BlockSpec((BB * TOP_KK, 256), lambda i: (i, 0)),
            pl.BlockSpec((BB, TOP_KK), lambda i: (i, 0)),
        ] + w_specs,
        out_specs=[
            pl.BlockSpec((BB, 1), lambda i: (i, 0)),
            pl.BlockSpec((1, 1), lambda i: (0, 0)),
        ],
        out_shape=[
            jax.ShapeDtypeStruct((B, 1), jnp.float32),
            jax.ShapeDtypeStruct((1, 1), jnp.float32),
        ],
        compiler_params=pltpu.CompilerParams(
            dimension_semantics=("arbitrary",)),
    )(query, cand, top_scores, *w_args)

    kl_loss = (jnp.float32(-0.5 * BETA_C) / (B * TOP_KK * IB_DIM)) * klsum[0, 0]
    return (out, kl_loss)

# --- scband reference (transcript-rebuilt; emitter-appended) ---
"""Pipeline reference for scband-jrpp-72688026517705 (READ-ONLY COPY).

The authoritative reference and input builder live on the scoring server;
editing this copy changes nothing except your own understanding.
"""

import jax, jax.numpy as jnp
import numpy as np

B = 1024
N = 100000
EMB = 64
META = 32
INPUT_DIM = EMB * 2 + META
FUSION = EMB + EMB // 2
TOP_K = 50
SEL_K = 40
IB = 512
HID = 256
NHEADS = 4
BETA = 1e-11


def setup_inputs(seed: int = 0) -> dict:
    key = jax.random.key(seed)
    ks = jax.random.split(key, 40)
    s = 0.05
    inp = {}
    inp['text_vec'] = jax.random.normal(ks[0], (B, 768), jnp.float32)
    inp['img_vec_pool'] = jax.random.normal(ks[1], (B, 768), jnp.float32)
    inp['meta_features'] = jax.random.normal(ks[2], (B, META), jnp.float32)
    inp['img_vec_cls'] = jax.random.normal(ks[3], (B, 768), jnp.float32)
    inp['user_id'] = jax.random.randint(ks[4], (B,), 0, N, jnp.int32)
    inp['image_id'] = jax.random.randint(ks[5], (B,), 0, N, jnp.int32)
    inp['items_id'] = jnp.arange(N, dtype=jnp.int32)
    inp['items_text'] = jax.random.normal(ks[6], (N, 768), jnp.float32)
    inp['items_img'] = jax.random.normal(ks[7], (N, 768), jnp.float32)
    inp['items_meta'] = jax.random.normal(ks[8], (N, 1, META), jnp.float32)

    def lw(k, shape):
        return jax.random.normal(k, shape, jnp.float32) * s

    p = {}
    p['text_W'] = lw(ks[9], (768, EMB)); p['text_b'] = jnp.zeros((EMB,), jnp.float32)
    p['img_W'] = lw(ks[10], (768, EMB)); p['img_b'] = jnp.zeros((EMB,), jnp.float32)
    p['enc_W'] = lw(ks[11], (INPUT_DIM, HID)); p['enc_b'] = jnp.zeros((HID,), jnp.float32)
    p['mu_W'] = lw(ks[12], (HID, IB)); p['mu_b'] = jnp.zeros((IB,), jnp.float32)
    p['lv_W'] = lw(ks[13], (HID, IB)); p['lv_b'] = jnp.zeros((IB,), jnp.float32)
    p['qenc_W'] = lw(ks[14], (INPUT_DIM, HID)); p['qenc_b'] = jnp.zeros((HID,), jnp.float32)
    p['qp_W'] = lw(ks[15], (INPUT_DIM, FUSION)); p['qp_b'] = jnp.zeros((FUSION,), jnp.float32)
    p['cp_W'] = lw(ks[16], (IB, FUSION)); p['cp_b'] = jnp.zeros((FUSION,), jnp.float32)
    p['jp_W'] = lw(ks[17], (INPUT_DIM + IB, FUSION)); p['jp_b'] = jnp.zeros((FUSION,), jnp.float32)
    p['Wq'] = lw(ks[18], (FUSION, FUSION)); p['bq'] = jnp.zeros((FUSION,), jnp.float32)
    p['Wk'] = lw(ks[19], (FUSION, FUSION)); p['bk'] = jnp.zeros((FUSION,), jnp.float32)
    p['Wv'] = lw(ks[20], (FUSION, FUSION)); p['bv'] = jnp.zeros((FUSION,), jnp.float32)
    p['Wo'] = lw(ks[21], (FUSION, FUSION)); p['bo'] = jnp.zeros((FUSION,), jnp.float32)
    p['ln1_g'] = jnp.ones((FUSION,), jnp.float32); p['ln1_b'] = jnp.zeros((FUSION,), jnp.float32)
    p['ff1_W'] = lw(ks[22], (FUSION, 4 * FUSION)); p['ff1_b'] = jnp.zeros((4 * FUSION,), jnp.float32)
    p['ff2_W'] = lw(ks[23], (4 * FUSION, FUSION)); p['ff2_b'] = jnp.zeros((FUSION,), jnp.float32)
    p['ln2_g'] = jnp.ones((FUSION,), jnp.float32); p['ln2_b'] = jnp.zeros((FUSION,), jnp.float32)
    p['rg1_W'] = lw(ks[24], (FUSION, FUSION)); p['rg1_b'] = jnp.zeros((FUSION,), jnp.float32)
    p['rg2_W'] = lw(ks[25], (FUSION, 1)); p['rg2_b'] = jnp.zeros((1,), jnp.float32)
    inp['params'] = p
    return inp


def _layernorm(x, g, b):
    m = x.mean(-1, keepdims=True)
    v = x.var(-1, keepdims=True)
    return (x - m) / jnp.sqrt(v + 1e-5) * g + b


def _forward(text_vec, meta_features, img_vec_cls, image_id, items_id, items_text, items_img, items_meta, p):
    # project query
    q_text = text_vec @ p['text_W'] + p['text_b']
    q_img = img_vec_cls @ p['img_W'] + p['img_b']
    query = jnp.concatenate([q_text, q_img, meta_features], axis=-1)  # [B, INPUT_DIM]
    # project items
    it_text = items_text @ p['text_W'] + p['text_b']
    it_img = items_img @ p['img_W'] + p['img_b']
    items_emb = jnp.concatenate([it_text, it_img, items_meta[:, 0, :]], axis=-1)  # [N, INPUT_DIM]
    # retrieval: dot-product scores over full corpus (memory-bound sweep), exclude own item
    scores = query @ items_emb.T  # [B, N]
    excl = items_id[None, :] == image_id[:, None]
    scores = jnp.where(excl, -1e9, scores)
    top_scores, top_idx = jax.lax.top_k(scores, TOP_K)  # [B, K]
    cand = items_emb[top_idx]  # [B, K, INPUT_DIM]
    # Gumbel-IB filter (eval: deterministic z = mu, hard top-select)
    h = jax.nn.relu(cand @ p['enc_W'] + p['enc_b'])  # [B, K, HID]
    mu = h @ p['mu_W'] + p['mu_b']  # [B, K, IB]
    logvar = h @ p['lv_W'] + p['lv_b']
    z = mu
    kl_loss = BETA * jnp.mean(-0.5 * (1.0 + logvar - mu ** 2 - jnp.exp(logvar)))
    qh = jax.nn.relu(query @ p['qenc_W'] + p['qenc_b'])  # [B, HID]
    row = jnp.einsum('bd,bkd->bk', qh, h) / jnp.sqrt(float(HID))
    row = row + top_scores  # use_score=True
    sel_score, sel_idx = jax.lax.top_k(row, SEL_K)  # [B, SEL_K]
    refined = jnp.take_along_axis(z, sel_idx[:, :, None], axis=1)  # [B, SEL_K, IB]
    row_score = sel_score
    # fusion
    attn_weight = jax.nn.softmax(row_score, axis=1)  # [B, SEL_K]
    context_raw = jnp.einsum('bk,bkd->bd', attn_weight, refined)[:, None, :]  # [B, 1, IB]
    q_proj = (query @ p['qp_W'] + p['qp_b'])[:, None, :]  # [B, 1, F]
    c_proj = (context_raw[:, 0, :] @ p['cp_W'] + p['cp_b'])[:, None, :]  # [B, 1, F]
    joint = jnp.concatenate([query[:, None, :], context_raw], axis=-1) @ p['jp_W'] + p['jp_b']  # [B, 1, F]
    # transformer block: MHA(q=q_proj, k=c_proj, v=joint) + FFN
    Bc = q_proj.shape[0]
    hd = FUSION // NHEADS

    def heads(x, W, b):
        return (x @ W + b).reshape(Bc, 1, NHEADS, hd).transpose(0, 2, 1, 3)

    Q = heads(q_proj, p['Wq'], p['bq'])
    K = heads(c_proj, p['Wk'], p['bk'])
    V = heads(joint, p['Wv'], p['bv'])
    a = jax.nn.softmax(jnp.einsum('bhqd,bhkd->bhqk', Q, K) / jnp.sqrt(float(hd)), axis=-1)
    o = jnp.einsum('bhqk,bhkd->bhqd', a, V).transpose(0, 2, 1, 3).reshape(Bc, 1, FUSION)
    o = o @ p['Wo'] + p['bo']
    x = _layernorm(q_proj + o, p['ln1_g'], p['ln1_b'])
    f = jax.nn.relu(x @ p['ff1_W'] + p['ff1_b']) @ p['ff2_W'] + p['ff2_b']
    x = _layernorm(x + f, p['ln2_g'], p['ln2_b'])
    out = jax.nn.relu(x[:, 0, :] @ p['rg1_W'] + p['rg1_b']) @ p['rg2_W'] + p['rg2_b']  # [B, 1]
    return out, kl_loss


def reference(text_vec, img_vec_pool, meta_features, img_vec_cls, user_id, image_id, items_id, items_text, items_img, items_meta, params):
    del img_vec_pool, user_id
    out, kl_loss = _forward(text_vec, meta_features, img_vec_cls, image_id, items_id, items_text, items_img, items_meta, params)
    return (out, kl_loss)

if __name__ == "__main__":
    import jax
    _d = setup_inputs()
    print(jax.jit(kernel)(*tuple(_d.values())))

</pallas_src>

<mosaic_0001>
#map = affine_map<(d0, d1) -> (0, 0)>
#map1 = affine_map<(d0, d1) -> (0)>
module attributes {stable_mosaic.version = 14 : i64} {
  func.func @k(%arg0: i32, %arg1: i32, %arg2: memref<100352x256xf32, #tpu.memory_space<hbm>>, %arg3: memref<51200xi32, #tpu.memory_space<hbm>>, %arg4: memref<51200x256xf32, #tpu.memory_space<hbm>>, %arg5: memref<80xi32, #tpu.memory_space<vmem>>, %arg6: memref<80x256xf32, #tpu.memory_space<vmem>>, %arg7: memref<!tpu.dma_semaphore, #tpu.memory_space<semaphore_mem>>) attributes {dimension_semantics = [#tpu.dimension_semantics<core_parallel>, #tpu.dimension_semantics<subcore_parallel>], iteration_bounds = array<i64: 2, 16>, scalar_prefetch = 0 : i64, scratch_operands = 3 : i64, tpu.core_type = #tpu.core_type<sc_vector_subcore>, window_params = [{transform_indices = #map}, {transform_indices = #map1}, {transform_indices = #map}]} {
    %mul3A = arith.constant 2 : i32
    %mul3A_0 = arith.muli %arg1, %mul3A : i32
    %add3A = arith.addi %mul3A_0, %arg0 : i32
    %mul3A_1 = arith.constant 1600 : i32
    %mul3A_2 = arith.muli %add3A, %mul3A_1 : i32
    %scan3A = arith.constant 0 : i32
    %scan3A_3 = arith.constant 0 : i32
    %scan3A_4 = arith.constant 20 : i32
    %scan3A_5 = arith.addi %scan3A_3, %scan3A_4 : i32
    %scan3A_6 = arith.constant 1 : i32
    scf.for %scan3A_8 = %scan3A_3 to %scan3A_5 step %scan3A_6  : i32 {
      %mul3A_9 = arith.constant 80 : i32
      %mul3A_10 = arith.muli %scan3A_8, %mul3A_9 : i32
      %add3A_11 = arith.addi %mul3A_2, %mul3A_10 : i32
      "tpu.region"() ({
        %run_scoped3A = tpu.sem_alloc : memref<!tpu.dma_semaphore, #tpu.memory_space<semaphore_mem>>
        %dma_start3A_16 = tpu.memref_slice %arg3[%add3A_11] : memref<51200xi32, #tpu.memory_space<hbm>> -> memref<80xi32, #tpu.memory_space<hbm>>
        %dma_start3A_17 = tpu.memref_slice %arg3[%add3A_11] : memref<51200xi32, #tpu.memory_space<hbm>> -> memref<80xi32, #tpu.memory_space<hbm>>
        tpu.enqueue_dma source(%dma_start3A_17 : memref<80xi32, #tpu.memory_space<hbm>>) target(%arg5 : memref<80xi32, #tpu.memory_space<vmem>>) target_semaphore(%run_scoped3A : memref<!tpu.dma_semaphore, #tpu.memory_space<semaphore_mem>>)
        %dma_wait3A_18 = tpu.memref_slice %arg3[%add3A_11] : memref<51200xi32, #tpu.memory_space<hbm>> -> memref<80xi32, #tpu.memory_space<hbm>>
        %dma_wait3A_19 = tpu.memref_slice %arg3[%add3A_11] : memref<51200xi32, #tpu.memory_space<hbm>> -> memref<80xi32, #tpu.memory_space<hbm>>
        tpu.wait_dma2 semaphore(%run_scoped3A : memref<!tpu.dma_semaphore, #tpu.memory_space<semaphore_mem>>) src(%dma_wait3A_19 : memref<80xi32, #tpu.memory_space<hbm>>) dst(%arg5 : memref<80xi32, #tpu.memory_space<vmem>>)
        tpu.yield
      }) : () -> ()
      %dma_start3A = arith.constant 0 : i32
      %dma_start3A_12 = arith.constant 0 : i32
      %dma_start3A_13 = tpu.memref_slice %arg2[%dma_start3A, %dma_start3A_12] : memref<100352x256xf32, #tpu.memory_space<hbm>> -> memref<100352x256xf32, #tpu.memory_space<hbm>>
      tpu.enqueue_indirect_dma source(%dma_start3A_13 : memref<100352x256xf32, #tpu.memory_space<hbm>>) target(%arg6 : memref<80x256xf32, #tpu.memory_space<vmem>>) offsets(%arg5 : memref<80xi32, #tpu.memory_space<vmem>>) semaphore(%arg7 : memref<!tpu.dma_semaphore, #tpu.memory_space<semaphore_mem>>)
      %dma_wait3A = arith.constant 0 : i32
      %dma_wait3A_14 = arith.constant 0 : i32
      %dma_wait3A_15 = tpu.memref_slice %arg2[%dma_wait3A, %dma_wait3A_14] : memref<100352x256xf32, #tpu.memory_space<hbm>> -> memref<100352x256xf32, #tpu.memory_space<hbm>>
      tpu.wait_indirect_dma semaphore(%arg7 : memref<!tpu.dma_semaphore, #tpu.memory_space<semaphore_mem>>) src(%dma_wait3A_15 : memref<100352x256xf32, #tpu.memory_space<hbm>>) dst(%arg6 : memref<80x256xf32, #tpu.memory_space<vmem>>)
      "tpu.region"() ({
        %run_scoped3A = tpu.sem_alloc : memref<!tpu.dma_semaphore, #tpu.memory_space<semaphore_mem>>
        %dma_start3A_16 = arith.constant 0 : i32
        %dma_start3A_17 = tpu.memref_slice %arg4[%add3A_11, %dma_start3A_16] : memref<51200x256xf32, #tpu.memory_space<hbm>> -> memref<80x256xf32, #tpu.memory_space<hbm>>
        %dma_start3A_18 = arith.constant 0 : i32
        %dma_start3A_19 = tpu.memref_slice %arg4[%add3A_11, %dma_start3A_18] : memref<51200x256xf32, #tpu.memory_space<hbm>> -> memref<80x256xf32, #tpu.memory_space<hbm>>
        tpu.enqueue_dma source(%arg6 : memref<80x256xf32, #tpu.memory_space<vmem>>) target(%dma_start3A_19 : memref<80x256xf32, #tpu.memory_space<hbm>>) target_semaphore(%run_scoped3A : memref<!tpu.dma_semaphore, #tpu.memory_space<semaphore_mem>>)
        %dma_wait3A_20 = arith.constant 0 : i32
        %dma_wait3A_21 = tpu.memref_slice %arg4[%add3A_11, %dma_wait3A_20] : memref<51200x256xf32, #tpu.memory_space<hbm>> -> memref<80x256xf32, #tpu.memory_space<hbm>>
        %dma_wait3A_22 = arith.constant 0 : i32
        %dma_wait3A_23 = tpu.memref_slice %arg4[%add3A_11, %dma_wait3A_22] : memref<51200x256xf32, #tpu.memory_space<hbm>> -> memref<80x256xf32, #tpu.memory_space<hbm>>
        tpu.wait_dma2 semaphore(%run_scoped3A : memref<!tpu.dma_semaphore, #tpu.memory_space<semaphore_mem>>) src(%arg6 : memref<80x256xf32, #tpu.memory_space<vmem>>) dst(%dma_wait3A_23 : memref<80x256xf32, #tpu.memory_space<hbm>>)
        tpu.yield
      }) : () -> ()
    }
    %scan3A_7 = arith.constant 20 : i32
    return
  }
}

module attributes {stable_mosaic.version = 14 : i64} {
  func.func @_query_body(%arg0: memref<1024x768xf32, #tpu.memory_space<vmem>>, %arg1: memref<1024x768xf32, #tpu.memory_space<vmem>>, %arg2: memref<1024x32xf32, #tpu.memory_space<vmem>>, %arg3: memref<768x64xf32, #tpu.memory_space<vmem>>, %arg4: memref<1x64xf32, #tpu.memory_space<vmem>>, %arg5: memref<768x64xf32, #tpu.memory_space<vmem>>, %arg6: memref<1x64xf32, #tpu.memory_space<vmem>>, %arg7: memref<1024x160xf32, #tpu.memory_space<vmem>>) attributes {dimension_semantics = [], scalar_prefetch = 0 : i64, scratch_operands = 0 : i64, tpu.core_type = #tpu.core_type<tc>} {
    %get3A = arith.constant 0 : index
    %get3A_0 = arith.constant 0 : index
    %get3A_1 = vector.load %arg0[%get3A, %get3A_0] : memref<1024x768xf32, #tpu.memory_space<vmem>>, vector<1024x768xf32>
    %get3A_2 = arith.constant 0 : index
    %get3A_3 = arith.constant 0 : index
    %get3A_4 = vector.load %arg3[%get3A_2, %get3A_3] : memref<768x64xf32, #tpu.memory_space<vmem>>, vector<768x64xf32>
    %dot_general3A = arith.constant dense<0.000000e+00> : vector<1024x64xf32>
    %dot_general3A_5 = tpu.matmul %get3A_1, %get3A_4, %dot_general3A {dimension_numbers = #tpu.dot_dimension_numbers<[1], [0], [0], [1], [0, 0, 1, 1], [], []>, transpose_lhs_hint = false} : vector<1024x768xf32>, vector<768x64xf32>, vector<1024x64xf32> -> vector<1024x64xf32>
    %get3A_6 = arith.constant 0 : index
    %get3A_7 = arith.constant 0 : index
    %get3A_8 = vector.load %arg4[%get3A_6, %get3A_7] : memref<1x64xf32, #tpu.memory_space<vmem>>, vector<1x64xf32>
    %add3A = vector.broadcast %get3A_8 : vector<1x64xf32> to vector<1024x64xf32>
    %add3A_9 = arith.addf %dot_general3A_5, %add3A : vector<1024x64xf32>
    %swap3A = arith.constant 0 : index
    %swap3A_10 = arith.constant 0 : index
    %swap3A_11 = vector.load %arg7[%swap3A, %swap3A_10] : memref<1024x160xf32, #tpu.memory_space<vmem>>, vector<1024x64xf32>
    tpu.vector_store %arg7[%swap3A, %swap3A_10], %add3A_9 {strides = array<i32>} : memref<1024x160xf32, #tpu.memory_space<vmem>>, vector<1024x64xf32>,
    %get3A_12 = arith.constant 0 : index
    %get3A_13 = arith.constant 0 : index
    %get3A_14 = vector.load %arg1[%get3A_12, %get3A_13] : memref<1024x768xf32, #tpu.memory_space<vmem>>, vector<1024x768xf32>
    %get3A_15 = arith.constant 0 : index
    %get3A_16 = arith.constant 0 : index
    %get3A_17 = vector.load %arg5[%get3A_15, %get3A_16] : memref<768x64xf32, #tpu.memory_space<vmem>>, vector<768x64xf32>
    %dot_general3A_18 = arith.constant dense<0.000000e+00> : vector<1024x64xf32>
    %dot_general3A_19 = tpu.matmul %get3A_14, %get3A_17, %dot_general3A_18 {dimension_numbers = #tpu.dot_dimension_numbers<[1], [0], [0], [1], [0, 0, 1, 1], [], []>, transpose_lhs_hint = false} : vector<1024x768xf32>, vector<768x64xf32>, vector<1024x64xf32> -> vector<1024x64xf32>
    %get3A_20 = arith.constant 0 : index
    %get3A_21 = arith.constant 0 : index
    %get3A_22 = vector.load %arg6[%get3A_20, %get3A_21] : memref<1x64xf32, #tpu.memory_space<vmem>>, vector<1x64xf32>
    %add3A_23 = vector.broadcast %get3A_22 : vector<1x64xf32> to vector<1024x64xf32>
    %add3A_24 = arith.addf %dot_general3A_19, %add3A_23 : vector<1024x64xf32>
    %swap3A_25 = arith.constant 0 : index
    %swap3A_26 = arith.constant 64 : index
    %swap3A_27 = vector.load %arg7[%swap3A_25, %swap3A_26] : memref<1024x160xf32, #tpu.memory_space<vmem>>, vector<1024x64xf32>
    tpu.vector_store %arg7[%swap3A_25, %swap3A_26], %add3A_24 {strides = array<i32>} : memref<1024x160xf32, #tpu.memory_space<vmem>>, vector<1024x64xf32>,
    %get3A_28 = arith.constant 0 : index
    %get3A_29 = arith.constant 0 : index
    %get3A_30 = vector.load %arg2[%get3A_28, %get3A_29] : memref<1024x32xf32, #tpu.memory_space<vmem>>, vector<1024x32xf32>
    %swap3A_31 = arith.constant 0 : index
    %swap3A_32 = arith.constant 128 : index
    %swap3A_33 = vector.load %arg7[%swap3A_31, %swap3A_32] : memref<1024x160xf32, #tpu.memory_space<vmem>>, vector<1024x32xf32>
    tpu.vector_store %arg7[%swap3A_31, %swap3A_32], %get3A_30 {strides = array<i32>} : memref<1024x160xf32, #tpu.memory_space<vmem>>, vector<1024x32xf32>,
    return
  }
}

module attributes {stable_mosaic.version = 14 : i64} {
  func.func @_grpsel_body(%arg0: i32, %arg1: memref<3136x128xf32, #tpu.memory_space<vmem>>, %arg2: memref<56x128xi32, #tpu.memory_space<vmem>>, %arg3: memref<3136x128xf32, #tpu.memory_space<vmem>>, %arg4: memref<3136x128xi32, #tpu.memory_space<vmem>>) attributes {dimension_semantics = [#tpu.dimension_semantics<arbitrary>], iteration_bounds = array<i64: 8>, scalar_prefetch = 0 : i64, scratch_operands = 2 : i64, tpu.core_type = #tpu.core_type<tc>, window_params = [{transform_indices = @transform_0, window_bounds = array<i64: 3136, 128>}, {transform_indices = @transform_1, window_bounds = array<i64: 56, 128>}]} {
    %get3A = arith.constant 0 : index
    %get3A_0 = arith.constant 0 : index
    %get3A_1 = vector.load %arg1[%get3A, %get3A_0] : memref<3136x128xf32, #tpu.memory_space<vmem>>, vector<3136x128xf32>
    %swap3A = arith.constant 0 : index
    %swap3A_2 = arith.constant 0 : index
    %swap3A_3 = vector.load %arg3[%swap3A, %swap3A_2] : memref<3136x128xf32, #tpu.memory_space<vmem>>, vector<3136x128xf32>
    tpu.vector_store %arg3[%swap3A, %swap3A_2], %get3A_1 {strides = array<i32>} : memref<3136x128xf32, #tpu.memory_space<vmem>>, vector<3136x128xf32>,
    %iota3A = tpu.iota {dimensions = array<i32: 0>} : vector<3136x128xi32>
    %swap3A_4 = arith.constant 0 : index
    %swap3A_5 = arith.constant 0 : index
    %swap3A_6 = vector.load %arg4[%swap3A_4, %swap3A_5] : memref<3136x128xi32, #tpu.memory_space<vmem>>, vector<3136x128xi32>
    tpu.vector_store %arg4[%swap3A_4, %swap3A_5], %iota3A {strides = array<i32>} : memref<3136x128xi32, #tpu.memory_space<vmem>>, vector<3136x128xi32>,
    %broadcast_in_dim3A = arith.constant 0 : i32
    %broadcast_in_dim3A_7 = vector.broadcast %broadcast_in_dim3A : i32 to vector<56x128xi32>
    %swap3A_8 = arith.constant 0 : index
    %swap3A_9 = arith.constant 0 : index
    %swap3A_10 = vector.load %arg2[%swap3A_8, %swap3A_9] : memref<56x128xi32, #tpu.memory_space<vmem>>, vector<56x128xi32>
    tpu.vector_store %arg2[%swap3A_8, %swap3A_9], %broadcast_in_dim3A_7 {strides = array<i32>} : memref<56x128xi32, #tpu.memory_space<vmem>>, vector<56x128xi32>,
    %iota3A_11 = tpu.iota {dimensions = array<i32: 0>} : vector<56x128xi32>
    %scan3A = arith.constant 0 : i32
    %scan3A_12 = arith.constant 56 : i32
    %scan3A_13 = arith.addi %scan3A, %scan3A_12 : i32
    %scan3A_14 = arith.constant 1 : i32
    scf.for %scan3A_16 = %scan3A to %scan3A_13 step %scan3A_14  : i32 {
      %get3A_17 = arith.constant 0 : index
      %get3A_18 = arith.constant 0 : index
      %get3A_19 = vector.load %arg3[%get3A_17, %get3A_18] : memref<3136x128xf32, #tpu.memory_space<vmem>>, vector<3136x128xf32>
      %reduce_max3A = arith.constant dense<0xFF800000> : vector<128xf32>
      %reduce_max3A_20 = vector.multi_reduction <maximumf>, %get3A_19, %reduce_max3A [0] : vector<3136x128xf32> to vector<128xf32>
      %broadcast_in_dim3A_21 = vector.shape_cast %reduce_max3A_20 : vector<128xf32> to vector<1x128xf32>
      %eq3A = vector.broadcast %broadcast_in_dim3A_21 : vector<1x128xf32> to vector<3136x128xf32>
      %eq3A_22 = arith.cmpf oeq, %get3A_19, %eq3A : vector<3136x128xf32>
      %get3A_23 = arith.constant 0 : index
      %get3A_24 = arith.constant 0 : index
      %get3A_25 = vector.load %arg4[%get3A_23, %get3A_24] : memref<3136x128xi32, #tpu.memory_space<vmem>>, vector<3136x128xi32>
      %jit3A = arith.constant 1073741824 : i32
      %broadcast_in_dim3A_26 = vector.broadcast %jit3A : i32 to vector<3136x128xi32>
      %select_n3A = arith.select %eq3A_22, %get3A_25, %broadcast_in_dim3A_26 : vector<3136x128xi1>, vector<3136x128xi32>
      %reduce_min3A = arith.constant dense<2147483647> : vector<128xi32>
      %reduce_min3A_27 = vector.multi_reduction <minsi>, %select_n3A, %reduce_min3A [0] : vector<3136x128xi32> to vector<128xi32>
      %broadcast_in_dim3A_28 = vector.shape_cast %reduce_min3A_27 : vector<128xi32> to vector<1x128xi32>
      %eq3A_29 = vector.broadcast %scan3A_16 : i32 to vector<56x128xi32>
      %eq3A_30 = arith.cmpi eq, %iota3A_11, %eq3A_29 : vector<56x128xi32>
      %get3A_31 = arith.constant 0 : index
      %get3A_32 = arith.constant 0 : index
      %get3A_33 = vector.load %arg2[%get3A_31, %get3A_32] : memref<56x128xi32, #tpu.memory_space<vmem>>, vector<56x128xi32>
      %broadcast_in_dim3A_34 = vector.shape_cast %broadcast_in_dim3A_28 : vector<1x128xi32> to vector<1x128xi32>
      %broadcast_in_dim3A_35 = vector.broadcast %broadcast_in_dim3A_34 : vector<1x128xi32> to vector<56x128xi32>
      %select_n3A_36 = arith.select %eq3A_30, %broadcast_in_dim3A_35, %get3A_33 : vector<56x128xi1>, vector<56x128xi32>
      %swap3A_37 = arith.constant 0 : index
      %swap3A_38 = arith.constant 0 : index
      %swap3A_39 = vector.load %arg2[%swap3A_37, %swap3A_38] : memref<56x128xi32, #tpu.memory_space<vmem>>, vector<56x128xi32>
      tpu.vector_store %arg2[%swap3A_37, %swap3A_38], %select_n3A_36 {strides = array<i32>} : memref<56x128xi32, #tpu.memory_space<vmem>>, vector<56x128xi32>,
      %get3A_40 = arith.constant 0 : index
      %get3A_41 = arith.constant 0 : index
      %get3A_42 = vector.load %arg4[%get3A_40, %get3A_41] : memref<3136x128xi32, #tpu.memory_space<vmem>>, vector<3136x128xi32>
      %eq3A_43 = vector.broadcast %broadcast_in_dim3A_28 : vector<1x128xi32> to vector<3136x128xi32>
      %eq3A_44 = arith.cmpi eq, %get3A_42, %eq3A_43 : vector<3136x128xi32>
      %and3A = arith.andi %eq3A_22, %eq3A_44 : vector<3136x128xi1>
      %jit3A_45 = arith.constant -3.000000e+38 : f32
      %broadcast_in_dim3A_46 = vector.broadcast %jit3A_45 : f32 to vector<3136x128xf32>
      %select_n3A_47 = arith.select %and3A, %broadcast_in_dim3A_46, %get3A_19 : vector<3136x128xi1>, vector<3136x128xf32>
      %swap3A_48 = arith.constant 0 : index
      %swap3A_49 = arith.constant 0 : index
      %swap3A_50 = vector.load %arg3[%swap3A_48, %swap3A_49] : memref<3136x128xf32, #tpu.memory_space<vmem>>, vector<3136x128xf32>
      tpu.vector_store %arg3[%swap3A_48, %swap3A_49], %select_n3A_47 {strides = array<i32>} : memref<3136x128xf32, #tpu.memory_space<vmem>>, vector<3136x128xf32>,
    }
    %scan3A_15 = arith.constant 56 : i32
    return
  }
  func.func @transform_0(%arg0: i32) -> (i32, i32) {
    %c0_i32 = arith.constant 0 : i32
    %c0_i32_0 = arith.constant 0 : i32
    return %c0_i32, %arg0 : i32, i32
  }
  func.func @transform_1(%arg0: i32) -> (i32, i32) {
    %c0_i32 = arith.constant 0 : i32
    %c0_i32_0 = arith.constant 0 : i32
    return %c0_i32, %arg0 : i32, i32
  }
}

module attributes {stable_mosaic.version = 14 : i64} {
  func.func @_score_body(%arg0: i32, %arg1: memref<1024x160xf32, #tpu.memory_space<vmem>>, %arg2: memref<1024x768xf32, #tpu.memory_space<vmem>>, %arg3: memref<1024x768xf32, #tpu.memory_space<vmem>>, %arg4: memref<1024x32xf32, #tpu.memory_space<vmem>>, %arg5: memref<768x64xf32, #tpu.memory_space<vmem>>, %arg6: memref<1x64xf32, #tpu.memory_space<vmem>>, %arg7: memref<768x64xf32, #tpu.memory_space<vmem>>, %arg8: memref<1x64xf32, #tpu.memory_space<vmem>>, %arg9: memref<1024x1xi32, #tpu.memory_space<vmem>>, %arg10: memref<1024x1024xf32, #tpu.memory_space<vmem>>, %arg11: memref<1024x256xf32, #tpu.memory_space<vmem>>, %arg12: memref<32x1024xf32, #tpu.memory_space<vmem>>) attributes {dimension_semantics = [#tpu.dimension_semantics<arbitrary>], iteration_bounds = array<i64: 98>, scalar_prefetch = 0 : i64, scratch_operands = 0 : i64, tpu.core_type = #tpu.core_type<tc>, window_params = [{pipeline_mode = #tpu.pipeline_mode<synchronous>, transform_indices = @transform_0, window_bounds = array<i64: 1024, 160>}, {transform_indices = @transform_1, window_bounds = array<i64: 1024, 768>}, {transform_indices = @transform_2, window_bounds = array<i64: 1024, 768>}, {transform_indices = @transform_3, window_bounds = array<i64: 1024, 32>}, {pipeline_mode = #tpu.pipeline_mode<synchronous>, transform_indices = @transform_4, window_bounds = array<i64: 768, 64>}, {pipeline_mode = #tpu.pipeline_mode<synchronous>, transform_indices = @transform_5, window_bounds = array<i64: 1, 64>}, {pipeline_mode = #tpu.pipeline_mode<synchronous>, transform_indices = @transform_6, window_bounds = array<i64: 768, 64>}, {pipeline_mode = #tpu.pipeline_mode<synchronous>, transform_indices = @transform_7, window_bounds = array<i64: 1, 64>}, {pipeline_mode = #tpu.pipeline_mode<synchronous>, transform_indices = @transform_8, window_bounds = array<i64: 1024, 1>}, {transform_indices = @transform_9, window_bounds = array<i64: 1024, 1024>}, {transform_indices = @transform_10, window_bounds = array<i64: 1024, 256>}, {transform_indices = @transform_11, window_bounds = array<i64: 32, 1024>}]} {
    %get3A = arith.constant 0 : index
    %get3A_0 = arith.constant 0 : index
    %get3A_1 = vector.load %arg2[%get3A, %get3A_0] : memref<1024x768xf32, #tpu.memory_space<vmem>>, vector<1024x768xf32>
    %get3A_2 = arith.constant 0 : index
    %get3A_3 = arith.constant 0 : index
    %get3A_4 = vector.load %arg5[%get3A_2, %get3A_3] : memref<768x64xf32, #tpu.memory_space<vmem>>, vector<768x64xf32>
    %dot_general3A = arith.constant dense<0.000000e+00> : vector<1024x64xf32>
    %dot_general3A_5 = tpu.matmul %get3A_1, %get3A_4, %dot_general3A {dimension_numbers = #tpu.dot_dimension_numbers<[1], [0], [0], [1], [0, 0, 1, 1], [], []>, transpose_lhs_hint = false} : vector<1024x768xf32>, vector<768x64xf32>, vector<1024x64xf32> -> vector<1024x64xf32>
    %get3A_6 = arith.constant 0 : index
    %get3A_7 = arith.constant 0 : index
    %get3A_8 = vector.load %arg6[%get3A_6, %get3A_7] : memref<1x64xf32, #tpu.memory_space<vmem>>, vector<1x64xf32>
    %add3A = vector.broadcast %get3A_8 : vector<1x64xf32> to vector<1024x64xf32>
    %add3A_9 = arith.addf %dot_general3A_5, %add3A : vector<1024x64xf32>
    %get3A_10 = arith.constant 0 : index
    %get3A_11 = arith.constant 0 : index
    %get3A_12 = vector.load %arg3[%get3A_10, %get3A_11] : memref<1024x768xf32, #tpu.memory_space<vmem>>, vector<1024x768xf32>
    %get3A_13 = arith.constant 0 : index
    %get3A_14 = arith.constant 0 : index
    %get3A_15 = vector.load %arg7[%get3A_13, %get3A_14] : memref<768x64xf32, #tpu.memory_space<vmem>>, vector<768x64xf32>
    %dot_general3A_16 = arith.constant dense<0.000000e+00> : vector<1024x64xf32>
    %dot_general3A_17 = tpu.matmul %get3A_12, %get3A_15, %dot_general3A_16 {dimension_numbers = #tpu.dot_dimension_numbers<[1], [0], [0], [1], [0, 0, 1, 1], [], []>, transpose_lhs_hint = false} : vector<1024x768xf32>, vector<768x64xf32>, vector<1024x64xf32> -> vector<1024x64xf32>
    %get3A_18 = arith.constant 0 : index
    %get3A_19 = arith.constant 0 : index
    %get3A_20 = vector.load %arg8[%get3A_18, %get3A_19] : memref<1x64xf32, #tpu.memory_space<vmem>>, vector<1x64xf32>
    %add3A_21 = vector.broadcast %get3A_20 : vector<1x64xf32> to vector<1024x64xf32>
    %add3A_22 = arith.addf %dot_general3A_17, %add3A_21 : vector<1024x64xf32>
    %get3A_23 = arith.constant 0 : index
    %get3A_24 = arith.constant 0 : index
    %get3A_25 = vector.load %arg4[%get3A_23, %get3A_24] : memref<1024x32xf32, #tpu.memory_space<vmem>>, vector<1024x32xf32>
    %concatenate3A = tpu.concatenate %add3A_9, %add3A_22, %get3A_25 in 1 : vector<1024x64xf32>, vector<1024x64xf32>, vector<1024x32xf32> -> vector<1024x160xf32>
    %broadcast_in_dim3A = arith.constant 0.000000e+00 : f32
    %broadcast_in_dim3A_26 = vector.broadcast %broadcast_in_dim3A : f32 to vector<1024x96xf32>
    %concatenate3A_27 = tpu.concatenate %concatenate3A, %broadcast_in_dim3A_26 in 1 : vector<1024x160xf32>, vector<1024x96xf32> -> vector<1024x256xf32>
    %swap3A = arith.constant 0 : index
    %swap3A_28 = arith.constant 0 : index
    %swap3A_29 = vector.load %arg11[%swap3A, %swap3A_28] : memref<1024x256xf32, #tpu.memory_space<vmem>>, vector<1024x256xf32>
    tpu.vector_store %arg11[%swap3A, %swap3A_28], %concatenate3A_27 {strides = array<i32>} : memref<1024x256xf32, #tpu.memory_space<vmem>>, vector<1024x256xf32>,
    %get3A_30 = arith.constant 0 : index
    %get3A_31 = arith.constant 0 : index
    %get3A_32 = vector.load %arg1[%get3A_30, %get3A_31] : memref<1024x160xf32, #tpu.memory_space<vmem>>, vector<1024x160xf32>
    %dot_general3A_33 = arith.constant dense<0.000000e+00> : vector<1024x1024xf32>
    %dot_general3A_34 = tpu.matmul %get3A_32, %concatenate3A, %dot_general3A_33 {dimension_numbers = #tpu.dot_dimension_numbers<[1], [1], [0], [0], [0, 0, 1, 0], [], []>, transpose_lhs_hint = false} : vector<1024x160xf32>, vector<1024x160xf32>, vector<1024x1024xf32> -> vector<1024x1024xf32>
    %mul3A = arith.constant 1024 : i32
    %mul3A_35 = arith.muli %arg0, %mul3A : i32
    %iota3A = tpu.iota {dimensions = array<i32: 1>} : vector<1x1024xi32>
    %add3A_36 = vector.broadcast %mul3A_35 : i32 to vector<1x1024xi32>
    %add3A_37 = arith.addi %add3A_36, %iota3A : vector<1x1024xi32>
    %ge3A = arith.constant 100000 : i32
    %ge3A_38 = vector.broadcast %ge3A : i32 to vector<1x1024xi32>
    %ge3A_39 = arith.cmpi sge, %add3A_37, %ge3A_38 : vector<1x1024xi32>
    %get3A_40 = arith.constant 0 : index
    %get3A_41 = arith.constant 0 : index
    %get3A_42 = vector.load %arg9[%get3A_40, %get3A_41] : memref<1024x1xi32, #tpu.memory_space<vmem>>, vector<1024x1xi32>
    %eq3A = vector.broadcast %add3A_37 : vector<1x1024xi32> to vector<1024x1024xi32>
    %eq3A_43 = vector.broadcast %get3A_42 : vector<1024x1xi32> to vector<1024x1024xi32>
    %eq3A_44 = arith.cmpi eq, %eq3A, %eq3A_43 : vector<1024x1024xi32>
    %or3A = vector.broadcast %ge3A_39 : vector<1x1024xi1> to vector<1024x1024xi1>
    %or3A_45 = arith.ori %or3A, %eq3A_44 : vector<1024x1024xi1>
    %jit3A = arith.constant -1.000000e+09 : f32
    %broadcast_in_dim3A_46 = vector.broadcast %jit3A : f32 to vector<1024x1024xf32>
    %select_n3A = arith.select %or3A_45, %broadcast_in_dim3A_46, %dot_general3A_34 : vector<1024x1024xi1>, vector<1024x1024xf32>
    %swap3A_47 = arith.constant 0 : index
    %swap3A_48 = arith.constant 0 : index
    %swap3A_49 = vector.load %arg10[%swap3A_47, %swap3A_48] : memref<1024x1024xf32, #tpu.memory_space<vmem>>, vector<1024x1024xf32>
    tpu.vector_store %arg10[%swap3A_47, %swap3A_48], %select_n3A {strides = array<i32>} : memref<1024x1024xf32, #tpu.memory_space<vmem>>, vector<1024x1024xf32>,
    %dot_general3A_50 = arith.constant dense<0.000000e+00> : vector<1024x1024xf32>
    %dot_general3A_51 = tpu.matmul %concatenate3A, %get3A_32, %dot_general3A_50 {dimension_numbers = #tpu.dot_dimension_numbers<[1], [1], [0], [0], [0, 0, 1, 0], [], []>, transpose_lhs_hint = false} : vector<1024x160xf32>, vector<1024x160xf32>, vector<1024x1024xf32> -> vector<1024x1024xf32>
    %mul3A_52 = arith.constant 1024 : i32
    %mul3A_53 = arith.muli %arg0, %mul3A_52 : i32
    %iota3A_54 = tpu.iota {dimensions = array<i32: 0>} : vector<1024x1xi32>
    %add3A_55 = vector.broadcast %mul3A_53 : i32 to vector<1024x1xi32>
    %add3A_56 = arith.addi %add3A_55, %iota3A_54 : vector<1024x1xi32>
    %ge3A_57 = arith.constant 100000 : i32
    %ge3A_58 = vector.broadcast %ge3A_57 : i32 to vector<1024x1xi32>
    %ge3A_59 = arith.cmpi sge, %add3A_56, %ge3A_58 : vector<1024x1xi32>
    %get3A_60 = arith.constant 0 : index
    %get3A_61 = arith.constant 0 : index
    %get3A_62 = vector.load %arg9[%get3A_60, %get3A_61] : memref<1024x1xi32, #tpu.memory_space<vmem>>, vector<1024x1xi32>
    %reshape3A = vector.shape_cast %get3A_62 : vector<1024x1xi32> to vector<1x1024xi32>
    %eq3A_63 = vector.broadcast %add3A_56 : vector<1024x1xi32> to vector<1024x1024xi32>
    %eq3A_64 = vector.broadcast %reshape3A : vector<1x1024xi32> to vector<1024x1024xi32>
    %eq3A_65 = arith.cmpi eq, %eq3A_63, %eq3A_64 : vector<1024x1024xi32>
    %or3A_66 = vector.broadcast %ge3A_59 : vector<1024x1xi1> to vector<1024x1024xi1>
    %or3A_67 = arith.ori %or3A_66, %eq3A_65 : vector<1024x1024xi1>
    %jit3A_68 = arith.constant -1.000000e+09 : f32
    %broadcast_in_dim3A_69 = vector.broadcast %jit3A_68 : f32 to vector<1024x1024xf32>
    %select_n3A_70 = arith.select %or3A_67, %broadcast_in_dim3A_69, %dot_general3A_51 : vector<1024x1024xi1>, vector<1024x1024xf32>
    %reshape3A_71 = vector.shape_cast %select_n3A_70 : vector<1024x1024xf32> to vector<32x32x1024xf32>
    %reduce_max3A = arith.constant dense<0xFF800000> : vector<32x1024xf32>
    %reduce_max3A_72 = vector.multi_reduction <maximumf>, %reshape3A_71, %reduce_max3A [1] : vector<32x32x1024xf32> to vector<32x1024xf32>
    %swap3A_73 = arith.constant 0 : index
    %swap3A_74 = arith.constant 0 : index
    %swap3A_75 = vector.load %arg12[%swap3A_73, %swap3A_74] : memref<32x1024xf32, #tpu.memory_space<vmem>>, vector<32x1024xf32>
    tpu.vector_store %arg12[%swap3A_73, %swap3A_74], %reduce_max3A_72 {strides = array<i32>} : memref<32x1024xf32, #tpu.memory_space<vmem>>, vector<32x1024xf32>,
    return
  }
  func.func @transform_0(%arg0: i32) -> (i32, i32) {
    %c0_i32 = arith.constant 0 : i32
    %c0_i32_0 = arith.constant 0 : i32
    %c0_i32_1 = arith.constant 0 : i32
    return %c0_i32, %c0_i32_0 : i32, i32
  }
  func.func @transform_1(%arg0: i32) -> (i32, i32) {
    %c0_i32 = arith.constant 0 : i32
    %c0_i32_0 = arith.constant 0 : i32
    return %arg0, %c0_i32 : i32, i32
  }
  func.func @transform_2(%arg0: i32) -> (i32, i32) {
    %c0_i32 = arith.constant 0 : i32
    %c0_i32_0 = arith.constant 0 : i32
    return %arg0, %c0_i32 : i32, i32
  }
  func.func @transform_3(%arg0: i32) -> (i32, i32) {
    %c0_i32 = arith.constant 0 : i32
    %c0_i32_0 = arith.constant 0 : i32
    return %arg0, %c0_i32 : i32, i32
  }
  func.func @transform_4(%arg0: i32) -> (i32, i32) {
    %c0_i32 = arith.constant 0 : i32
    %c0_i32_0 = arith.constant 0 : i32
    %c0_i32_1 = arith.constant 0 : i32
    return %c0_i32, %c0_i32_0 : i32, i32
  }
  func.func @transform_5(%arg0: i32) -> (i32, i32) {
    %c0_i32 = arith.constant 0 : i32
    %c0_i32_0 = arith.constant 0 : i32
    %c0_i32_1 = arith.constant 0 : i32
    return %c0_i32, %c0_i32_0 : i32, i32
  }
  func.func @transform_6(%arg0: i32) -> (i32, i32) {
    %c0_i32 = arith.constant 0 : i32
    %c0_i32_0 = arith.constant 0 : i32
    %c0_i32_1 = arith.constant 0 : i32
    return %c0_i32, %c0_i32_0 : i32, i32
  }
  func.func @transform_7(%arg0: i32) -> (i32, i32) {
    %c0_i32 = arith.constant 0 : i32
    %c0_i32_0 = arith.constant 0 : i32
    %c0_i32_1 = arith.constant 0 : i32
    return %c0_i32, %c0_i32_0 : i32, i32
  }
  func.func @transform_8(%arg0: i32) -> (i32, i32) {
    %c0_i32 = arith.constant 0 : i32
    %c0_i32_0 = arith.constant 0 : i32
    %c0_i32_1 = arith.constant 0 : i32
    return %c0_i32, %c0_i32_0 : i32, i32
  }
  func.func @transform_9(%arg0: i32) -> (i32, i32) {
    %c0_i32 = arith.constant 0 : i32
    %c0_i32_0 = arith.constant 0 : i32
    return %c0_i32, %arg0 : i32, i32
  }
  func.func @transform_10(%arg0: i32) -> (i32, i32) {
    %c0_i32 = arith.constant 0 : i32
    %c0_i32_0 = arith.constant 0 : i32
    return %arg0, %c0_i32 : i32, i32
  }
  func.func @transform_11(%arg0: i32) -> (i32, i32) {
    %c0_i32 = arith.constant 0 : i32
    %c0_i32_0 = arith.constant 0 : i32
    return %arg0, %c0_i32 : i32, i32
  }
}

module attributes {stable_mosaic.version = 14 : i64} {
  func.func @_topsel_body(%arg0: i32, %arg1: memref<256x1792xf32, #tpu.memory_space<vmem>>, %arg2: memref<256x1792xi32, #tpu.memory_space<vmem>>, %arg3: memref<256x50xf32, #tpu.memory_space<vmem>>, %arg4: memref<256x50xi32, #tpu.memory_space<vmem>>, %arg5: memref<256x1792xf32, #tpu.memory_space<vmem>>) attributes {dimension_semantics = [#tpu.dimension_semantics<arbitrary>], iteration_bounds = array<i64: 4>, scalar_prefetch = 0 : i64, scratch_operands = 1 : i64, tpu.core_type = #tpu.core_type<tc>, window_params = [{transform_indices = @transform_0, window_bounds = array<i64: 256, 1792>}, {transform_indices = @transform_1, window_bounds = array<i64: 256, 1792>}, {transform_indices = @transform_2, window_bounds = array<i64: 256, 50>}, {transform_indices = @transform_3, window_bounds = array<i64: 256, 50>}]} {
    %get3A = arith.constant 0 : index
    %get3A_0 = arith.constant 0 : index
    %get3A_1 = vector.load %arg1[%get3A, %get3A_0] : memref<256x1792xf32, #tpu.memory_space<vmem>>, vector<256x1792xf32>
    %swap3A = arith.constant 0 : index
    %swap3A_2 = arith.constant 0 : index
    %swap3A_3 = vector.load %arg5[%swap3A, %swap3A_2] : memref<256x1792xf32, #tpu.memory_space<vmem>>, vector<256x1792xf32>
    tpu.vector_store %arg5[%swap3A, %swap3A_2], %get3A_1 {strides = array<i32>} : memref<256x1792xf32, #tpu.memory_space<vmem>>, vector<256x1792xf32>,
    %get3A_4 = arith.constant 0 : index
    %get3A_5 = arith.constant 0 : index
    %get3A_6 = vector.load %arg2[%get3A_4, %get3A_5] : memref<256x1792xi32, #tpu.memory_space<vmem>>, vector<256x1792xi32>
    %broadcast_in_dim3A = arith.constant 0.000000e+00 : f32
    %broadcast_in_dim3A_7 = vector.broadcast %broadcast_in_dim3A : f32 to vector<256x50xf32>
    %swap3A_8 = arith.constant 0 : index
    %swap3A_9 = arith.constant 0 : index
    %swap3A_10 = vector.load %arg3[%swap3A_8, %swap3A_9] : memref<256x50xf32, #tpu.memory_space<vmem>>, vector<256x50xf32>
    tpu.vector_store %arg3[%swap3A_8, %swap3A_9], %broadcast_in_dim3A_7 {strides = array<i32>} : memref<256x50xf32, #tpu.memory_space<vmem>>, vector<256x50xf32>,
    %broadcast_in_dim3A_11 = arith.constant 0 : i32
    %broadcast_in_dim3A_12 = vector.broadcast %broadcast_in_dim3A_11 : i32 to vector<256x50xi32>
    %swap3A_13 = arith.constant 0 : index
    %swap3A_14 = arith.constant 0 : index
    %swap3A_15 = vector.load %arg4[%swap3A_13, %swap3A_14] : memref<256x50xi32, #tpu.memory_space<vmem>>, vector<256x50xi32>
    tpu.vector_store %arg4[%swap3A_13, %swap3A_14], %broadcast_in_dim3A_12 {strides = array<i32>} : memref<256x50xi32, #tpu.memory_space<vmem>>, vector<256x50xi32>,
    %iota3A = tpu.iota {dimensions = array<i32: 1>} : vector<256x50xi32>
    %scan3A = arith.constant 0 : i32
    %scan3A_16 = arith.constant 50 : i32
    %scan3A_17 = arith.addi %scan3A, %scan3A_16 : i32
    %scan3A_18 = arith.constant 1 : i32
    scf.for %scan3A_20 = %scan3A to %scan3A_17 step %scan3A_18  : i32 {
      %get3A_21 = arith.constant 0 : index
      %get3A_22 = arith.constant 0 : index
      %get3A_23 = vector.load %arg5[%get3A_21, %get3A_22] : memref<256x1792xf32, #tpu.memory_space<vmem>>, vector<256x1792xf32>
      %reduce_max3A = arith.constant dense<0xFF800000> : vector<256xf32>
      %reduce_max3A_24 = vector.multi_reduction <maximumf>, %get3A_23, %reduce_max3A [1] : vector<256x1792xf32> to vector<256xf32>
      %broadcast_in_dim3A_25 = vector.shape_cast %reduce_max3A_24 : vector<256xf32> to vector<256x1xf32>
      %eq3A = vector.broadcast %broadcast_in_dim3A_25 : vector<256x1xf32> to vector<256x1792xf32>
      %eq3A_26 = arith.cmpf oeq, %get3A_23, %eq3A : vector<256x1792xf32>
      %jit3A = arith.constant 1073741824 : i32
      %broadcast_in_dim3A_27 = vector.broadcast %jit3A : i32 to vector<256x1792xi32>
      %select_n3A = arith.select %eq3A_26, %get3A_6, %broadcast_in_dim3A_27 : vector<256x1792xi1>, vector<256x1792xi32>
      %reduce_min3A = arith.constant dense<2147483647> : vector<256xi32>
      %reduce_min3A_28 = vector.multi_reduction <minsi>, %select_n3A, %reduce_min3A [1] : vector<256x1792xi32> to vector<256xi32>
      %broadcast_in_dim3A_29 = vector.shape_cast %reduce_min3A_28 : vector<256xi32> to vector<256x1xi32>
      %eq3A_30 = vector.broadcast %scan3A_20 : i32 to vector<256x50xi32>
      %eq3A_31 = arith.cmpi eq, %iota3A, %eq3A_30 : vector<256x50xi32>
      %get3A_32 = arith.constant 0 : index
      %get3A_33 = arith.constant 0 : index
      %get3A_34 = vector.load %arg3[%get3A_32, %get3A_33] : memref<256x50xf32, #tpu.memory_space<vmem>>, vector<256x50xf32>
      %broadcast_in_dim3A_35 = vector.shape_cast %broadcast_in_dim3A_25 : vector<256x1xf32> to vector<256x1xf32>
      %broadcast_in_dim3A_36 = vector.broadcast %broadcast_in_dim3A_35 : vector<256x1xf32> to vector<256x50xf32>
      %select_n3A_37 = arith.select %eq3A_31, %broadcast_in_dim3A_36, %get3A_34 : vector<256x50xi1>, vector<256x50xf32>
      %swap3A_38 = arith.constant 0 : index
      %swap3A_39 = arith.constant 0 : index
      %swap3A_40 = vector.load %arg3[%swap3A_38, %swap3A_39] : memref<256x50xf32, #tpu.memory_space<vmem>>, vector<256x50xf32>
      tpu.vector_store %arg3[%swap3A_38, %swap3A_39], %select_n3A_37 {strides = array<i32>} : memref<256x50xf32, #tpu.memory_space<vmem>>, vector<256x50xf32>,
      %eq3A_41 = vector.broadcast %scan3A_20 : i32 to vector<256x50xi32>
      %eq3A_42 = arith.cmpi eq, %iota3A, %eq3A_41 : vector<256x50xi32>
      %get3A_43 = arith.constant 0 : index
      %get3A_44 = arith.constant 0 : index
      %get3A_45 = vector.load %arg4[%get3A_43, %get3A_44] : memref<256x50xi32, #tpu.memory_space<vmem>>, vector<256x50xi32>
      %broadcast_in_dim3A_46 = vector.shape_cast %broadcast_in_dim3A_29 : vector<256x1xi32> to vector<256x1xi32>
      %broadcast_in_dim3A_47 = vector.broadcast %broadcast_in_dim3A_46 : vector<256x1xi32> to vector<256x50xi32>
      %select_n3A_48 = arith.select %eq3A_42, %broadcast_in_dim3A_47, %get3A_45 : vector<256x50xi1>, vector<256x50xi32>
      %swap3A_49 = arith.constant 0 : index
      %swap3A_50 = arith.constant 0 : index
      %swap3A_51 = vector.load %arg4[%swap3A_49, %swap3A_50] : memref<256x50xi32, #tpu.memory_space<vmem>>, vector<256x50xi32>
      tpu.vector_store %arg4[%swap3A_49, %swap3A_50], %select_n3A_48 {strides = array<i32>} : memref<256x50xi32, #tpu.memory_space<vmem>>, vector<256x50xi32>,
      %eq3A_52 = vector.broadcast %broadcast_in_dim3A_29 : vector<256x1xi32> to vector<256x1792xi32>
      %eq3A_53 = arith.cmpi eq, %get3A_6, %eq3A_52 : vector<256x1792xi32>
      %and3A = arith.andi %eq3A_26, %eq3A_53 : vector<256x1792xi1>
      %jit3A_54 = arith.constant -3.000000e+38 : f32
      %broadcast_in_dim3A_55 = vector.broadcast %jit3A_54 : f32 to vector<256x1792xf32>
      %select_n3A_56 = arith.select %and3A, %broadcast_in_dim3A_55, %get3A_23 : vector<256x1792xi1>, vector<256x1792xf32>
      %swap3A_57 = arith.constant 0 : index
      %swap3A_58 = arith.constant 0 : index
      %swap3A_59 = vector.load %arg5[%swap3A_57, %swap3A_58] : memref<256x1792xf32, #tpu.memory_space<vmem>>, vector<256x1792xf32>
      tpu.vector_store %arg5[%swap3A_57, %swap3A_58], %select_n3A_56 {strides = array<i32>} : memref<256x1792xf32, #tpu.memory_space<vmem>>, vector<256x1792xf32>,
    }
    %scan3A_19 = arith.constant 50 : i32
    return
  }
  func.func @transform_0(%arg0: i32) -> (i32, i32) {
    %c0_i32 = arith.constant 0 : i32
    %c0_i32_0 = arith.constant 0 : i32
    return %arg0, %c0_i32 : i32, i32
  }
  func.func @transform_1(%arg0: i32) -> (i32, i32) {
    %c0_i32 = arith.constant 0 : i32
    %c0_i32_0 = arith.constant 0 : i32
    return %arg0, %c0_i32 : i32, i32
  }
  func.func @transform_2(%arg0: i32) -> (i32, i32) {
    %c0_i32 = arith.constant 0 : i32
    %c0_i32_0 = arith.constant 0 : i32
    return %arg0, %c0_i32 : i32, i32
  }
  func.func @transform_3(%arg0: i32) -> (i32, i32) {
    %c0_i32 = arith.constant 0 : i32
    %c0_i32_0 = arith.constant 0 : i32
    return %arg0, %c0_i32 : i32, i32
  }
}

module attributes {stable_mosaic.version = 14 : i64} {
  func.func @_tail_body(%arg0: i32, %arg1: memref<64x160xf32, #tpu.memory_space<vmem>>, %arg2: memref<3200x256xf32, #tpu.memory_space<vmem>>, %arg3: memref<64x50xf32, #tpu.memory_space<vmem>>, %arg4: memref<256x256xf32, #tpu.memory_space<vmem>>, %arg5: memref<1x256xf32, #tpu.memory_space<vmem>>, %arg6: memref<256x512xf32, #tpu.memory_space<vmem>>, %arg7: memref<1x512xf32, #tpu.memory_space<vmem>>, %arg8: memref<256x512xf32, #tpu.memory_space<vmem>>, %arg9: memref<1x512xf32, #tpu.memory_space<vmem>>, %arg10: memref<160x256xf32, #tpu.memory_space<vmem>>, %arg11: memref<1x256xf32, #tpu.memory_space<vmem>>, %arg12: memref<160x96xf32, #tpu.memory_space<vmem>>, %arg13: memref<1x96xf32, #tpu.memory_space<vmem>>, %arg14: memref<160x96xf32, #tpu.memory_space<vmem>>, %arg15: memref<512x96xf32, #tpu.memory_space<vmem>>, %arg16: memref<1x96xf32, #tpu.memory_space<vmem>>, %arg17: memref<96x96xf32, #tpu.memory_space<vmem>>, %arg18: memref<1x96xf32, #tpu.memory_space<vmem>>, %arg19: memref<96x96xf32, #tpu.memory_space<vmem>>, %arg20: memref<1x96xf32, #tpu.memory_space<vmem>>, %arg21: memref<1x96xf32, #tpu.memory_space<vmem>>, %arg22: memref<1x96xf32, #tpu.memory_space<vmem>>, %arg23: memref<96x384xf32, #tpu.memory_space<vmem>>, %arg24: memref<1x384xf32, #tpu.memory_space<vmem>>, %arg25: memref<384x96xf32, #tpu.memory_space<vmem>>, %arg26: memref<1x96xf32, #tpu.memory_space<vmem>>, %arg27: memref<1x96xf32, #tpu.memory_space<vmem>>, %arg28: memref<1x96xf32, #tpu.memory_space<vmem>>, %arg29: memref<96x96xf32, #tpu.memory_space<vmem>>, %arg30: memref<1x96xf32, #tpu.memory_space<vmem>>, %arg31: memref<96x1xf32, #tpu.memory_space<vmem>>, %arg32: memref<1x1xf32, #tpu.memory_space<vmem>>, %arg33: memref<64x1xf32, #tpu.memory_space<vmem>>, %arg34: memref<1x1xf32, #tpu.memory_space<vmem>>) attributes {dimension_semantics = [#tpu.dimension_semantics<arbitrary>], iteration_bounds = array<i64: 16>, scalar_prefetch = 0 : i64, scratch_operands = 0 : i64, tpu.core_type = #tpu.core_type<tc>, window_params = [{transform_indices = @transform_0, window_bounds = array<i64: 64, 160>}, {transform_indices = @transform_1, window_bounds = array<i64: 3200, 256>}, {transform_indices = @transform_2, window_bounds = array<i64: 64, 50>}, {pipeline_mode = #tpu.pipeline_mode<synchronous>, transform_indices = @transform_3, window_bounds = array<i64: 256, 256>}, {pipeline_mode = #tpu.pipeline_mode<synchronous>, transform_indices = @transform_4, window_bounds = array<i64: 1, 256>}, {pipeline_mode = #tpu.pipeline_mode<synchronous>, transform_indices = @transform_5, window_bounds = array<i64: 256, 512>}, {pipeline_mode = #tpu.pipeline_mode<synchronous>, transform_indices = @transform_6, window_bounds = array<i64: 1, 512>}, {pipeline_mode = #tpu.pipeline_mode<synchronous>, transform_indices = @transform_7, window_bounds = array<i64: 256, 512>}, {pipeline_mode = #tpu.pipeline_mode<synchronous>, transform_indices = @transform_8, window_bounds = array<i64: 1, 512>}, {pipeline_mode = #tpu.pipeline_mode<synchronous>, transform_indices = @transform_9, window_bounds = array<i64: 160, 256>}, {pipeline_mode = #tpu.pipeline_mode<synchronous>, transform_indices = @transform_10, window_bounds = array<i64: 1, 256>}, {pipeline_mode = #tpu.pipeline_mode<synchronous>, transform_indices = @transform_11, window_bounds = array<i64: 160, 96>}, {pipeline_mode = #tpu.pipeline_mode<synchronous>, transform_indices = @transform_12, window_bounds = array<i64: 1, 96>}, {pipeline_mode = #tpu.pipeline_mode<synchronous>, transform_indices = @transform_13, window_bounds = array<i64: 160, 96>}, {pipeline_mode = #tpu.pipeline_mode<synchronous>, transform_indices = @transform_14, window_bounds = array<i64: 512, 96>}, {pipeline_mode = #tpu.pipeline_mode<synchronous>, transform_indices = @transform_15, window_bounds = array<i64: 1, 96>}, {pipeline_mode = #tpu.pipeline_mode<synchronous>, transform_indices = @transform_16, window_bounds = array<i64: 96, 96>}, {pipeline_mode = #tpu.pipeline_mode<synchronous>, transform_indices = @transform_17, window_bounds = array<i64: 1, 96>}, {pipeline_mode = #tpu.pipeline_mode<synchronous>, transform_indices = @transform_18, window_bounds = array<i64: 96, 96>}, {pipeline_mode = #tpu.pipeline_mode<synchronous>, transform_indices = @transform_19, window_bounds = array<i64: 1, 96>}, {pipeline_mode = #tpu.pipeline_mode<synchronous>, transform_indices = @transform_20, window_bounds = array<i64: 1, 96>}, {pipeline_mode = #tpu.pipeline_mode<synchronous>, transform_indices = @transform_21, window_bounds = array<i64: 1, 96>}, {pipeline_mode = #tpu.pipeline_mode<synchronous>, transform_indices = @transform_22, window_bounds = array<i64: 96, 384>}, {pipeline_mode = #tpu.pipeline_mode<synchronous>, transform_indices = @transform_23, window_bounds = array<i64: 1, 384>}, {pipeline_mode = #tpu.pipeline_mode<synchronous>, transform_indices = @transform_24, window_bounds = array<i64: 384, 96>}, {pipeline_mode = #tpu.pipeline_mode<synchronous>, transform_indices = @transform_25, window_bounds = array<i64: 1, 96>}, {pipeline_mode = #tpu.pipeline_mode<synchronous>, transform_indices = @transform_26, window_bounds = array<i64: 1, 96>}, {pipeline_mode = #tpu.pipeline_mode<synchronous>, transform_indices = @transform_27, window_bounds = array<i64: 1, 96>}, {pipeline_mode = #tpu.pipeline_mode<synchronous>, transform_indices = @transform_28, window_bounds = array<i64: 96, 96>}, {pipeline_mode = #tpu.pipeline_mode<synchronous>, transform_indices = @transform_29, window_bounds = array<i64: 1, 96>}, {pipeline_mode = #tpu.pipeline_mode<synchronous>, transform_indices = @transform_30, window_bounds = array<i64: 96, 1>}, {pipeline_mode = #tpu.pipeline_mode<synchronous>, transform_indices = @transform_31, window_bounds = array<i64: 1, 1>}, {transform_indices = @transform_32, window_bounds = array<i64: 64, 1>}, {pipeline_mode = #tpu.pipeline_mode<synchronous>, transform_indices = @transform_33, window_bounds = array<i64: 1, 1>}]} {
    %eq3A = arith.constant 0 : i32
    %eq3A_0 = arith.cmpi eq, %arg0, %eq3A : i32
    %convert_element_type3A = arith.extui %eq3A_0 : i1 to i32
    %cond3A = arith.constant 0 : i32
    %cond3A_1 = arith.cmpi ne, %convert_element_type3A, %cond3A : i32
    scf.if %cond3A_1 {
      %broadcast_in_dim3A_641 = arith.constant 0.000000e+00 : f32
      %broadcast_in_dim3A_642 = vector.broadcast %broadcast_in_dim3A_641 : f32 to vector<1x1xf32>
      %swap3A_643 = arith.constant 0 : index
      %swap3A_644 = arith.constant 0 : index
      %swap3A_645 = vector.load %arg34[%swap3A_643, %swap3A_644] : memref<1x1xf32, #tpu.memory_space<vmem>>, vector<1x1xf32>
      tpu.vector_store %arg34[%swap3A_643, %swap3A_644], %broadcast_in_dim3A_642 {strides = array<i32>} : memref<1x1xf32, #tpu.memory_space<vmem>>, vector<1x1xf32>,
    } else {
    }
    %get3A = arith.constant 0 : index
    %get3A_2 = arith.constant 0 : index
    %get3A_3 = vector.load %arg1[%get3A, %get3A_2] : memref<64x160xf32, #tpu.memory_space<vmem>>, vector<64x160xf32>
    %get3A_4 = arith.constant 0 : index
    %get3A_5 = arith.constant 0 : index
    %get3A_6 = vector.load %arg2[%get3A_4, %get3A_5] : memref<3200x256xf32, #tpu.memory_space<vmem>>, vector<3200x256xf32>
    %get3A_7 = arith.constant 0 : index
    %get3A_8 = arith.constant 0 : index
    %get3A_9 = vector.load %arg4[%get3A_7, %get3A_8] : memref<256x256xf32, #tpu.memory_space<vmem>>, vector<256x256xf32>
    %dot_general3A = arith.constant dense<0.000000e+00> : vector<3200x256xf32>
    %dot_general3A_10 = tpu.matmul %get3A_6, %get3A_9, %dot_general3A {dimension_numbers = #tpu.dot_dimension_numbers<[1], [0], [0], [1], [0, 0, 1, 1], [], []>, transpose_lhs_hint = false} : vector<3200x256xf32>, vector<256x256xf32>, vector<3200x256xf32> -> vector<3200x256xf32>
    %get3A_11 = arith.constant 0 : index
    %get3A_12 = arith.constant 0 : index
    %get3A_13 = vector.load %arg5[%get3A_11, %get3A_12] : memref<1x256xf32, #tpu.memory_space<vmem>>, vector<1x256xf32>
    %add3A = vector.broadcast %get3A_13 : vector<1x256xf32> to vector<3200x256xf32>
    %add3A_14 = arith.addf %dot_general3A_10, %add3A : vector<3200x256xf32>
    %max3A = arith.constant 0.000000e+00 : f32
    %max3A_15 = vector.broadcast %max3A : f32 to vector<3200x256xf32>
    %max3A_16 = arith.maximumf %add3A_14, %max3A_15 : vector<3200x256xf32>
    %get3A_17 = arith.constant 0 : index
    %get3A_18 = arith.constant 0 : index
    %get3A_19 = vector.load %arg6[%get3A_17, %get3A_18] : memref<256x512xf32, #tpu.memory_space<vmem>>, vector<256x512xf32>
    %dot_general3A_20 = arith.constant dense<0.000000e+00> : vector<3200x512xf32>
    %dot_general3A_21 = tpu.matmul %max3A_16, %get3A_19, %dot_general3A_20 {dimension_numbers = #tpu.dot_dimension_numbers<[1], [0], [0], [1], [0, 0, 1, 1], [], []>, transpose_lhs_hint = false} : vector<3200x256xf32>, vector<256x512xf32>, vector<3200x512xf32> -> vector<3200x512xf32>
    %get3A_22 = arith.constant 0 : index
    %get3A_23 = arith.constant 0 : index
    %get3A_24 = vector.load %arg7[%get3A_22, %get3A_23] : memref<1x512xf32, #tpu.memory_space<vmem>>, vector<1x512xf32>
    %add3A_25 = vector.broadcast %get3A_24 : vector<1x512xf32> to vector<3200x512xf32>
    %add3A_26 = arith.addf %dot_general3A_21, %add3A_25 : vector<3200x512xf32>
    %get3A_27 = arith.constant 0 : index
    %get3A_28 = arith.constant 0 : index
    %get3A_29 = vector.load %arg8[%get3A_27, %get3A_28] : memref<256x512xf32, #tpu.memory_space<vmem>>, vector<256x512xf32>
    %dot_general3A_30 = arith.constant dense<0.000000e+00> : vector<3200x512xf32>
    %dot_general3A_31 = tpu.matmul %max3A_16, %get3A_29, %dot_general3A_30 {dimension_numbers = #tpu.dot_dimension_numbers<[1], [0], [0], [1], [0, 0, 1, 1], [], []>, transpose_lhs_hint = false} : vector<3200x256xf32>, vector<256x512xf32>, vector<3200x512xf32> -> vector<3200x512xf32>
    %get3A_32 = arith.constant 0 : index
    %get3A_33 = arith.constant 0 : index
    %get3A_34 = vector.load %arg9[%get3A_32, %get3A_33] : memref<1x512xf32, #tpu.memory_space<vmem>>, vector<1x512xf32>
    %add3A_35 = vector.broadcast %get3A_34 : vector<1x512xf32> to vector<3200x512xf32>
    %add3A_36 = arith.addf %dot_general3A_31, %add3A_35 : vector<3200x512xf32>
    %get3A_37 = arith.constant 0 : index
    %get3A_38 = arith.constant 0 : index
    %get3A_39 = vector.load %arg34[%get3A_37, %get3A_38] : memref<1x1xf32, #tpu.memory_space<vmem>>, vector<1x1xf32>
    %add3A_40 = arith.constant 1.000000e+00 : f32
    %add3A_41 = vector.broadcast %add3A_40 : f32 to vector<3200x512xf32>
    %add3A_42 = arith.addf %add3A_41, %add3A_36 : vector<3200x512xf32>
    %mul3A = arith.mulf %add3A_26, %add3A_26 : vector<3200x512xf32>
    %sub3A = arith.subf %add3A_42, %mul3A : vector<3200x512xf32>
    %exp3A = math.exp %add3A_36 : vector<3200x512xf32>
    %sub3A_43 = arith.subf %sub3A, %exp3A : vector<3200x512xf32>
    %reduce_sum3A = vector.shape_cast %sub3A_43 : vector<3200x512xf32> to vector<1x3200x512xf32>
    %reduce_sum3A_44 = arith.constant dense<0.000000e+00> : vector<1xf32>
    %reduce_sum3A_45 = vector.multi_reduction <add>, %reduce_sum3A, %reduce_sum3A_44 [1, 2] : vector<1x3200x512xf32> to vector<1xf32>
    %reduce_sum3A_46 = vector.shape_cast %reduce_sum3A_45 : vector<1xf32> to vector<1x1x1xf32>
    %reduce_sum3A_47 = vector.extract %reduce_sum3A_46[0, 0, 0] : f32 from vector<1x1x1xf32>
    %reshape3A = vector.broadcast %reduce_sum3A_47 : f32 to vector<1x1xf32>
    %add3A_48 = arith.addf %get3A_39, %reshape3A : vector<1x1xf32>
    %swap3A = arith.constant 0 : index
    %swap3A_49 = arith.constant 0 : index
    %swap3A_50 = vector.load %arg34[%swap3A, %swap3A_49] : memref<1x1xf32, #tpu.memory_space<vmem>>, vector<1x1xf32>
    tpu.vector_store %arg34[%swap3A, %swap3A_49], %add3A_48 {strides = array<i32>} : memref<1x1xf32, #tpu.memory_space<vmem>>, vector<1x1xf32>,
    %get3A_51 = arith.constant 0 : index
    %get3A_52 = arith.constant 0 : index
    %get3A_53 = vector.load %arg10[%get3A_51, %get3A_52] : memref<160x256xf32, #tpu.memory_space<vmem>>, vector<160x256xf32>
    %dot_general3A_54 = arith.constant dense<0.000000e+00> : vector<64x256xf32>
    %dot_general3A_55 = tpu.matmul %get3A_3, %get3A_53, %dot_general3A_54 {dimension_numbers = #tpu.dot_dimension_numbers<[1], [0], [0], [1], [0, 0, 1, 1], [], []>, transpose_lhs_hint = false} : vector<64x160xf32>, vector<160x256xf32>, vector<64x256xf32> -> vector<64x256xf32>
    %get3A_56 = arith.constant 0 : index
    %get3A_57 = arith.constant 0 : index
    %get3A_58 = vector.load %arg11[%get3A_56, %get3A_57] : memref<1x256xf32, #tpu.memory_space<vmem>>, vector<1x256xf32>
    %add3A_59 = vector.broadcast %get3A_58 : vector<1x256xf32> to vector<64x256xf32>
    %add3A_60 = arith.addf %dot_general3A_55, %add3A_59 : vector<64x256xf32>
    %max3A_61 = arith.constant 0.000000e+00 : f32
    %max3A_62 = vector.broadcast %max3A_61 : f32 to vector<64x256xf32>
    %max3A_63 = arith.maximumf %add3A_60, %max3A_62 : vector<64x256xf32>
    %reshape3A_64 = vector.shape_cast %max3A_16 : vector<3200x256xf32> to vector<64x50x256xf32>
    %broadcast_in_dim3A = vector.shape_cast %max3A_63 : vector<64x256xf32> to vector<64x1x256xf32>
    %mul3A_65 = vector.broadcast %broadcast_in_dim3A : vector<64x1x256xf32> to vector<64x50x256xf32>
    %mul3A_66 = arith.mulf %reshape3A_64, %mul3A_65 : vector<64x50x256xf32>
    %reduce_sum3A_67 = arith.constant dense<0.000000e+00> : vector<64x50xf32>
    %reduce_sum3A_68 = vector.multi_reduction <add>, %mul3A_66, %reduce_sum3A_67 [2] : vector<64x50x256xf32> to vector<64x50xf32>
    %mul3A_69 = arith.constant 6.250000e-02 : f32
    %mul3A_70 = vector.broadcast %mul3A_69 : f32 to vector<64x50xf32>
    %mul3A_71 = arith.mulf %reduce_sum3A_68, %mul3A_70 : vector<64x50xf32>
    %get3A_72 = arith.constant 0 : index
    %get3A_73 = arith.constant 0 : index
    %get3A_74 = vector.load %arg3[%get3A_72, %get3A_73] : memref<64x50xf32, #tpu.memory_space<vmem>>, vector<64x50xf32>
    %add3A_75 = arith.addf %mul3A_71, %get3A_74 : vector<64x50xf32>
    %broadcast_in_dim3A_76 = arith.constant false
    %broadcast_in_dim3A_77 = vector.broadcast %broadcast_in_dim3A_76 : i1 to vector<64x50xi1>
    %reduce_max3A = arith.constant dense<0xFF800000> : vector<64xf32>
    %reduce_max3A_78 = vector.multi_reduction <maximumf>, %add3A_75, %reduce_max3A [1] : vector<64x50xf32> to vector<64xf32>
    %broadcast_in_dim3A_79 = vector.shape_cast %reduce_max3A_78 : vector<64xf32> to vector<64x1xf32>
    %eq3A_80 = vector.broadcast %broadcast_in_dim3A_79 : vector<64x1xf32> to vector<64x50xf32>
    %eq3A_81 = arith.cmpf oeq, %add3A_75, %eq3A_80 : vector<64x50xf32>
    %or3A = arith.ori %broadcast_in_dim3A_77, %eq3A_81 : vector<64x50xi1>
    %jit3A = arith.constant -1.000000e+30 : f32
    %broadcast_in_dim3A_82 = vector.broadcast %jit3A : f32 to vector<64x50xf32>
    %select_n3A = arith.select %eq3A_81, %broadcast_in_dim3A_82, %add3A_75 : vector<64x50xi1>, vector<64x50xf32>
    %reduce_max3A_83 = arith.constant dense<0xFF800000> : vector<64xf32>
    %reduce_max3A_84 = vector.multi_reduction <maximumf>, %select_n3A, %reduce_max3A_83 [1] : vector<64x50xf32> to vector<64xf32>
    %broadcast_in_dim3A_85 = vector.shape_cast %reduce_max3A_84 : vector<64xf32> to vector<64x1xf32>
    %eq3A_86 = vector.broadcast %broadcast_in_dim3A_85 : vector<64x1xf32> to vector<64x50xf32>
    %eq3A_87 = arith.cmpf oeq, %select_n3A, %eq3A_86 : vector<64x50xf32>
    %or3A_88 = arith.ori %or3A, %eq3A_87 : vector<64x50xi1>
    %jit3A_89 = arith.constant -1.000000e+30 : f32
    %broadcast_in_dim3A_90 = vector.broadcast %jit3A_89 : f32 to vector<64x50xf32>
    %select_n3A_91 = arith.select %eq3A_87, %broadcast_in_dim3A_90, %select_n3A : vector<64x50xi1>, vector<64x50xf32>
    %reduce_max3A_92 = arith.constant dense<0xFF800000> : vector<64xf32>
    %reduce_max3A_93 = vector.multi_reduction <maximumf>, %select_n3A_91, %reduce_max3A_92 [1] : vector<64x50xf32> to vector<64xf32>
    %broadcast_in_dim3A_94 = vector.shape_cast %reduce_max3A_93 : vector<64xf32> to vector<64x1xf32>
    %eq3A_95 = vector.broadcast %broadcast_in_dim3A_94 : vector<64x1xf32> to vector<64x50xf32>
    %eq3A_96 = arith.cmpf oeq, %select_n3A_91, %eq3A_95 : vector<64x50xf32>
    %or3A_97 = arith.ori %or3A_88, %eq3A_96 : vector<64x50xi1>
    %jit3A_98 = arith.constant -1.000000e+30 : f32
    %broadcast_in_dim3A_99 = vector.broadcast %jit3A_98 : f32 to vector<64x50xf32>
    %select_n3A_100 = arith.select %eq3A_96, %broadcast_in_dim3A_99, %select_n3A_91 : vector<64x50xi1>, vector<64x50xf32>
    %reduce_max3A_101 = arith.constant dense<0xFF800000> : vector<64xf32>
    %reduce_max3A_102 = vector.multi_reduction <maximumf>, %select_n3A_100, %reduce_max3A_101 [1] : vector<64x50xf32> to vector<64xf32>
    %broadcast_in_dim3A_103 = vector.shape_cast %reduce_max3A_102 : vector<64xf32> to vector<64x1xf32>
    %eq3A_104 = vector.broadcast %broadcast_in_dim3A_103 : vector<64x1xf32> to vector<64x50xf32>
    %eq3A_105 = arith.cmpf oeq, %select_n3A_100, %eq3A_104 : vector<64x50xf32>
    %or3A_106 = arith.ori %or3A_97, %eq3A_105 : vector<64x50xi1>
    %jit3A_107 = arith.constant -1.000000e+30 : f32
    %broadcast_in_dim3A_108 = vector.broadcast %jit3A_107 : f32 to vector<64x50xf32>
    %select_n3A_109 = arith.select %eq3A_105, %broadcast_in_dim3A_108, %select_n3A_100 : vector<64x50xi1>, vector<64x50xf32>
    %reduce_max3A_110 = arith.constant dense<0xFF800000> : vector<64xf32>
    %reduce_max3A_111 = vector.multi_reduction <maximumf>, %select_n3A_109, %reduce_max3A_110 [1] : vector<64x50xf32> to vector<64xf32>
    %broadcast_in_dim3A_112 = vector.shape_cast %reduce_max3A_111 : vector<64xf32> to vector<64x1xf32>
    %eq3A_113 = vector.broadcast %broadcast_in_dim3A_112 : vector<64x1xf32> to vector<64x50xf32>
    %eq3A_114 = arith.cmpf oeq, %select_n3A_109, %eq3A_113 : vector<64x50xf32>
    %or3A_115 = arith.ori %or3A_106, %eq3A_114 : vector<64x50xi1>
    %jit3A_116 = arith.constant -1.000000e+30 : f32
    %broadcast_in_dim3A_117 = vector.broadcast %jit3A_116 : f32 to vector<64x50xf32>
    %select_n3A_118 = arith.select %eq3A_114, %broadcast_in_dim3A_117, %select_n3A_109 : vector<64x50xi1>, vector<64x50xf32>
    %reduce_max3A_119 = arith.constant dense<0xFF800000> : vector<64xf32>
    %reduce_max3A_120 = vector.multi_reduction <maximumf>, %select_n3A_118, %reduce_max3A_119 [1] : vector<64x50xf32> to vector<64xf32>
    %broadcast_in_dim3A_121 = vector.shape_cast %reduce_max3A_120 : vector<64xf32> to vector<64x1xf32>
    %eq3A_122 = vector.broadcast %broadcast_in_dim3A_121 : vector<64x1xf32> to vector<64x50xf32>
    %eq3A_123 = arith.cmpf oeq, %select_n3A_118, %eq3A_122 : vector<64x50xf32>
    %or3A_124 = arith.ori %or3A_115, %eq3A_123 : vector<64x50xi1>
    %jit3A_125 = arith.constant -1.000000e+30 : f32
    %broadcast_in_dim3A_126 = vector.broadcast %jit3A_125 : f32 to vector<64x50xf32>
    %select_n3A_127 = arith.select %eq3A_123, %broadcast_in_dim3A_126, %select_n3A_118 : vector<64x50xi1>, vector<64x50xf32>
    %reduce_max3A_128 = arith.constant dense<0xFF800000> : vector<64xf32>
    %reduce_max3A_129 = vector.multi_reduction <maximumf>, %select_n3A_127, %reduce_max3A_128 [1] : vector<64x50xf32> to vector<64xf32>
    %broadcast_in_dim3A_130 = vector.shape_cast %reduce_max3A_129 : vector<64xf32> to vector<64x1xf32>
    %eq3A_131 = vector.broadcast %broadcast_in_dim3A_130 : vector<64x1xf32> to vector<64x50xf32>
    %eq3A_132 = arith.cmpf oeq, %select_n3A_127, %eq3A_131 : vector<64x50xf32>
    %or3A_133 = arith.ori %or3A_124, %eq3A_132 : vector<64x50xi1>
    %jit3A_134 = arith.constant -1.000000e+30 : f32
    %broadcast_in_dim3A_135 = vector.broadcast %jit3A_134 : f32 to vector<64x50xf32>
    %select_n3A_136 = arith.select %eq3A_132, %broadcast_in_dim3A_135, %select_n3A_127 : vector<64x50xi1>, vector<64x50xf32>
    %reduce_max3A_137 = arith.constant dense<0xFF800000> : vector<64xf32>
    %reduce_max3A_138 = vector.multi_reduction <maximumf>, %select_n3A_136, %reduce_max3A_137 [1] : vector<64x50xf32> to vector<64xf32>
    %broadcast_in_dim3A_139 = vector.shape_cast %reduce_max3A_138 : vector<64xf32> to vector<64x1xf32>
    %eq3A_140 = vector.broadcast %broadcast_in_dim3A_139 : vector<64x1xf32> to vector<64x50xf32>
    %eq3A_141 = arith.cmpf oeq, %select_n3A_136, %eq3A_140 : vector<64x50xf32>
    %or3A_142 = arith.ori %or3A_133, %eq3A_141 : vector<64x50xi1>
    %jit3A_143 = arith.constant -1.000000e+30 : f32
    %broadcast_in_dim3A_144 = vector.broadcast %jit3A_143 : f32 to vector<64x50xf32>
    %select_n3A_145 = arith.select %eq3A_141, %broadcast_in_dim3A_144, %select_n3A_136 : vector<64x50xi1>, vector<64x50xf32>
    %reduce_max3A_146 = arith.constant dense<0xFF800000> : vector<64xf32>
    %reduce_max3A_147 = vector.multi_reduction <maximumf>, %select_n3A_145, %reduce_max3A_146 [1] : vector<64x50xf32> to vector<64xf32>
    %broadcast_in_dim3A_148 = vector.shape_cast %reduce_max3A_147 : vector<64xf32> to vector<64x1xf32>
    %eq3A_149 = vector.broadcast %broadcast_in_dim3A_148 : vector<64x1xf32> to vector<64x50xf32>
    %eq3A_150 = arith.cmpf oeq, %select_n3A_145, %eq3A_149 : vector<64x50xf32>
    %or3A_151 = arith.ori %or3A_142, %eq3A_150 : vector<64x50xi1>
    %jit3A_152 = arith.constant -1.000000e+30 : f32
    %broadcast_in_dim3A_153 = vector.broadcast %jit3A_152 : f32 to vector<64x50xf32>
    %select_n3A_154 = arith.select %eq3A_150, %broadcast_in_dim3A_153, %select_n3A_145 : vector<64x50xi1>, vector<64x50xf32>
    %reduce_max3A_155 = arith.constant dense<0xFF800000> : vector<64xf32>
    %reduce_max3A_156 = vector.multi_reduction <maximumf>, %select_n3A_154, %reduce_max3A_155 [1] : vector<64x50xf32> to vector<64xf32>
    %broadcast_in_dim3A_157 = vector.shape_cast %reduce_max3A_156 : vector<64xf32> to vector<64x1xf32>
    %eq3A_158 = vector.broadcast %broadcast_in_dim3A_157 : vector<64x1xf32> to vector<64x50xf32>
    %eq3A_159 = arith.cmpf oeq, %select_n3A_154, %eq3A_158 : vector<64x50xf32>
    %or3A_160 = arith.ori %or3A_151, %eq3A_159 : vector<64x50xi1>
    %jit3A_161 = arith.constant -1.000000e+30 : f32
    %broadcast_in_dim3A_162 = vector.broadcast %jit3A_161 : f32 to vector<64x50xf32>
    %select_n3A_163 = arith.select %eq3A_159, %broadcast_in_dim3A_162, %select_n3A_154 : vector<64x50xi1>, vector<64x50xf32>
    %reduce_max3A_164 = arith.constant dense<0xFF800000> : vector<64xf32>
    %reduce_max3A_165 = vector.multi_reduction <maximumf>, %select_n3A_163, %reduce_max3A_164 [1] : vector<64x50xf32> to vector<64xf32>
    %broadcast_in_dim3A_166 = vector.shape_cast %reduce_max3A_165 : vector<64xf32> to vector<64x1xf32>
    %eq3A_167 = vector.broadcast %broadcast_in_dim3A_166 : vector<64x1xf32> to vector<64x50xf32>
    %eq3A_168 = arith.cmpf oeq, %select_n3A_163, %eq3A_167 : vector<64x50xf32>
    %or3A_169 = arith.ori %or3A_160, %eq3A_168 : vector<64x50xi1>
    %jit3A_170 = arith.constant -1.000000e+30 : f32
    %broadcast_in_dim3A_171 = vector.broadcast %jit3A_170 : f32 to vector<64x50xf32>
    %select_n3A_172 = arith.select %eq3A_168, %broadcast_in_dim3A_171, %select_n3A_163 : vector<64x50xi1>, vector<64x50xf32>
    %reduce_max3A_173 = arith.constant dense<0xFF800000> : vector<64xf32>
    %reduce_max3A_174 = vector.multi_reduction <maximumf>, %select_n3A_172, %reduce_max3A_173 [1] : vector<64x50xf32> to vector<64xf32>
    %broadcast_in_dim3A_175 = vector.shape_cast %reduce_max3A_174 : vector<64xf32> to vector<64x1xf32>
    %eq3A_176 = vector.broadcast %broadcast_in_dim3A_175 : vector<64x1xf32> to vector<64x50xf32>
    %eq3A_177 = arith.cmpf oeq, %select_n3A_172, %eq3A_176 : vector<64x50xf32>
    %or3A_178 = arith.ori %or3A_169, %eq3A_177 : vector<64x50xi1>
    %jit3A_179 = arith.constant -1.000000e+30 : f32
    %broadcast_in_dim3A_180 = vector.broadcast %jit3A_179 : f32 to vector<64x50xf32>
    %select_n3A_181 = arith.select %eq3A_177, %broadcast_in_dim3A_180, %select_n3A_172 : vector<64x50xi1>, vector<64x50xf32>
    %reduce_max3A_182 = arith.constant dense<0xFF800000> : vector<64xf32>
    %reduce_max3A_183 = vector.multi_reduction <maximumf>, %select_n3A_181, %reduce_max3A_182 [1] : vector<64x50xf32> to vector<64xf32>
    %broadcast_in_dim3A_184 = vector.shape_cast %reduce_max3A_183 : vector<64xf32> to vector<64x1xf32>
    %eq3A_185 = vector.broadcast %broadcast_in_dim3A_184 : vector<64x1xf32> to vector<64x50xf32>
    %eq3A_186 = arith.cmpf oeq, %select_n3A_181, %eq3A_185 : vector<64x50xf32>
    %or3A_187 = arith.ori %or3A_178, %eq3A_186 : vector<64x50xi1>
    %jit3A_188 = arith.constant -1.000000e+30 : f32
    %broadcast_in_dim3A_189 = vector.broadcast %jit3A_188 : f32 to vector<64x50xf32>
    %select_n3A_190 = arith.select %eq3A_186, %broadcast_in_dim3A_189, %select_n3A_181 : vector<64x50xi1>, vector<64x50xf32>
    %reduce_max3A_191 = arith.constant dense<0xFF800000> : vector<64xf32>
    %reduce_max3A_192 = vector.multi_reduction <maximumf>, %select_n3A_190, %reduce_max3A_191 [1] : vector<64x50xf32> to vector<64xf32>
    %broadcast_in_dim3A_193 = vector.shape_cast %reduce_max3A_192 : vector<64xf32> to vector<64x1xf32>
    %eq3A_194 = vector.broadcast %broadcast_in_dim3A_193 : vector<64x1xf32> to vector<64x50xf32>
    %eq3A_195 = arith.cmpf oeq, %select_n3A_190, %eq3A_194 : vector<64x50xf32>
    %or3A_196 = arith.ori %or3A_187, %eq3A_195 : vector<64x50xi1>
    %jit3A_197 = arith.constant -1.000000e+30 : f32
    %broadcast_in_dim3A_198 = vector.broadcast %jit3A_197 : f32 to vector<64x50xf32>
    %select_n3A_199 = arith.select %eq3A_195, %broadcast_in_dim3A_198, %select_n3A_190 : vector<64x50xi1>, vector<64x50xf32>
    %reduce_max3A_200 = arith.constant dense<0xFF800000> : vector<64xf32>
    %reduce_max3A_201 = vector.multi_reduction <maximumf>, %select_n3A_199, %reduce_max3A_200 [1] : vector<64x50xf32> to vector<64xf32>
    %broadcast_in_dim3A_202 = vector.shape_cast %reduce_max3A_201 : vector<64xf32> to vector<64x1xf32>
    %eq3A_203 = vector.broadcast %broadcast_in_dim3A_202 : vector<64x1xf32> to vector<64x50xf32>
    %eq3A_204 = arith.cmpf oeq, %select_n3A_199, %eq3A_203 : vector<64x50xf32>
    %or3A_205 = arith.ori %or3A_196, %eq3A_204 : vector<64x50xi1>
    %jit3A_206 = arith.constant -1.000000e+30 : f32
    %broadcast_in_dim3A_207 = vector.broadcast %jit3A_206 : f32 to vector<64x50xf32>
    %select_n3A_208 = arith.select %eq3A_204, %broadcast_in_dim3A_207, %select_n3A_199 : vector<64x50xi1>, vector<64x50xf32>
    %reduce_max3A_209 = arith.constant dense<0xFF800000> : vector<64xf32>
    %reduce_max3A_210 = vector.multi_reduction <maximumf>, %select_n3A_208, %reduce_max3A_209 [1] : vector<64x50xf32> to vector<64xf32>
    %broadcast_in_dim3A_211 = vector.shape_cast %reduce_max3A_210 : vector<64xf32> to vector<64x1xf32>
    %eq3A_212 = vector.broadcast %broadcast_in_dim3A_211 : vector<64x1xf32> to vector<64x50xf32>
    %eq3A_213 = arith.cmpf oeq, %select_n3A_208, %eq3A_212 : vector<64x50xf32>
    %or3A_214 = arith.ori %or3A_205, %eq3A_213 : vector<64x50xi1>
    %jit3A_215 = arith.constant -1.000000e+30 : f32
    %broadcast_in_dim3A_216 = vector.broadcast %jit3A_215 : f32 to vector<64x50xf32>
    %select_n3A_217 = arith.select %eq3A_213, %broadcast_in_dim3A_216, %select_n3A_208 : vector<64x50xi1>, vector<64x50xf32>
    %reduce_max3A_218 = arith.constant dense<0xFF800000> : vector<64xf32>
    %reduce_max3A_219 = vector.multi_reduction <maximumf>, %select_n3A_217, %reduce_max3A_218 [1] : vector<64x50xf32> to vector<64xf32>
    %broadcast_in_dim3A_220 = vector.shape_cast %reduce_max3A_219 : vector<64xf32> to vector<64x1xf32>
    %eq3A_221 = vector.broadcast %broadcast_in_dim3A_220 : vector<64x1xf32> to vector<64x50xf32>
    %eq3A_222 = arith.cmpf oeq, %select_n3A_217, %eq3A_221 : vector<64x50xf32>
    %or3A_223 = arith.ori %or3A_214, %eq3A_222 : vector<64x50xi1>
    %jit3A_224 = arith.constant -1.000000e+30 : f32
    %broadcast_in_dim3A_225 = vector.broadcast %jit3A_224 : f32 to vector<64x50xf32>
    %select_n3A_226 = arith.select %eq3A_222, %broadcast_in_dim3A_225, %select_n3A_217 : vector<64x50xi1>, vector<64x50xf32>
    %reduce_max3A_227 = arith.constant dense<0xFF800000> : vector<64xf32>
    %reduce_max3A_228 = vector.multi_reduction <maximumf>, %select_n3A_226, %reduce_max3A_227 [1] : vector<64x50xf32> to vector<64xf32>
    %broadcast_in_dim3A_229 = vector.shape_cast %reduce_max3A_228 : vector<64xf32> to vector<64x1xf32>
    %eq3A_230 = vector.broadcast %broadcast_in_dim3A_229 : vector<64x1xf32> to vector<64x50xf32>
    %eq3A_231 = arith.cmpf oeq, %select_n3A_226, %eq3A_230 : vector<64x50xf32>
    %or3A_232 = arith.ori %or3A_223, %eq3A_231 : vector<64x50xi1>
    %jit3A_233 = arith.constant -1.000000e+30 : f32
    %broadcast_in_dim3A_234 = vector.broadcast %jit3A_233 : f32 to vector<64x50xf32>
    %select_n3A_235 = arith.select %eq3A_231, %broadcast_in_dim3A_234, %select_n3A_226 : vector<64x50xi1>, vector<64x50xf32>
    %reduce_max3A_236 = arith.constant dense<0xFF800000> : vector<64xf32>
    %reduce_max3A_237 = vector.multi_reduction <maximumf>, %select_n3A_235, %reduce_max3A_236 [1] : vector<64x50xf32> to vector<64xf32>
    %broadcast_in_dim3A_238 = vector.shape_cast %reduce_max3A_237 : vector<64xf32> to vector<64x1xf32>
    %eq3A_239 = vector.broadcast %broadcast_in_dim3A_238 : vector<64x1xf32> to vector<64x50xf32>
    %eq3A_240 = arith.cmpf oeq, %select_n3A_235, %eq3A_239 : vector<64x50xf32>
    %or3A_241 = arith.ori %or3A_232, %eq3A_240 : vector<64x50xi1>
    %jit3A_242 = arith.constant -1.000000e+30 : f32
    %broadcast_in_dim3A_243 = vector.broadcast %jit3A_242 : f32 to vector<64x50xf32>
    %select_n3A_244 = arith.select %eq3A_240, %broadcast_in_dim3A_243, %select_n3A_235 : vector<64x50xi1>, vector<64x50xf32>
    %reduce_max3A_245 = arith.constant dense<0xFF800000> : vector<64xf32>
    %reduce_max3A_246 = vector.multi_reduction <maximumf>, %select_n3A_244, %reduce_max3A_245 [1] : vector<64x50xf32> to vector<64xf32>
    %broadcast_in_dim3A_247 = vector.shape_cast %reduce_max3A_246 : vector<64xf32> to vector<64x1xf32>
    %eq3A_248 = vector.broadcast %broadcast_in_dim3A_247 : vector<64x1xf32> to vector<64x50xf32>
    %eq3A_249 = arith.cmpf oeq, %select_n3A_244, %eq3A_248 : vector<64x50xf32>
    %or3A_250 = arith.ori %or3A_241, %eq3A_249 : vector<64x50xi1>
    %jit3A_251 = arith.constant -1.000000e+30 : f32
    %broadcast_in_dim3A_252 = vector.broadcast %jit3A_251 : f32 to vector<64x50xf32>
    %select_n3A_253 = arith.select %eq3A_249, %broadcast_in_dim3A_252, %select_n3A_244 : vector<64x50xi1>, vector<64x50xf32>
    %reduce_max3A_254 = arith.constant dense<0xFF800000> : vector<64xf32>
    %reduce_max3A_255 = vector.multi_reduction <maximumf>, %select_n3A_253, %reduce_max3A_254 [1] : vector<64x50xf32> to vector<64xf32>
    %broadcast_in_dim3A_256 = vector.shape_cast %reduce_max3A_255 : vector<64xf32> to vector<64x1xf32>
    %eq3A_257 = vector.broadcast %broadcast_in_dim3A_256 : vector<64x1xf32> to vector<64x50xf32>
    %eq3A_258 = arith.cmpf oeq, %select_n3A_253, %eq3A_257 : vector<64x50xf32>
    %or3A_259 = arith.ori %or3A_250, %eq3A_258 : vector<64x50xi1>
    %jit3A_260 = arith.constant -1.000000e+30 : f32
    %broadcast_in_dim3A_261 = vector.broadcast %jit3A_260 : f32 to vector<64x50xf32>
    %select_n3A_262 = arith.select %eq3A_258, %broadcast_in_dim3A_261, %select_n3A_253 : vector<64x50xi1>, vector<64x50xf32>
    %reduce_max3A_263 = arith.constant dense<0xFF800000> : vector<64xf32>
    %reduce_max3A_264 = vector.multi_reduction <maximumf>, %select_n3A_262, %reduce_max3A_263 [1] : vector<64x50xf32> to vector<64xf32>
    %broadcast_in_dim3A_265 = vector.shape_cast %reduce_max3A_264 : vector<64xf32> to vector<64x1xf32>
    %eq3A_266 = vector.broadcast %broadcast_in_dim3A_265 : vector<64x1xf32> to vector<64x50xf32>
    %eq3A_267 = arith.cmpf oeq, %select_n3A_262, %eq3A_266 : vector<64x50xf32>
    %or3A_268 = arith.ori %or3A_259, %eq3A_267 : vector<64x50xi1>
    %jit3A_269 = arith.constant -1.000000e+30 : f32
    %broadcast_in_dim3A_270 = vector.broadcast %jit3A_269 : f32 to vector<64x50xf32>
    %select_n3A_271 = arith.select %eq3A_267, %broadcast_in_dim3A_270, %select_n3A_262 : vector<64x50xi1>, vector<64x50xf32>
    %reduce_max3A_272 = arith.constant dense<0xFF800000> : vector<64xf32>
    %reduce_max3A_273 = vector.multi_reduction <maximumf>, %select_n3A_271, %reduce_max3A_272 [1] : vector<64x50xf32> to vector<64xf32>
    %broadcast_in_dim3A_274 = vector.shape_cast %reduce_max3A_273 : vector<64xf32> to vector<64x1xf32>
    %eq3A_275 = vector.broadcast %broadcast_in_dim3A_274 : vector<64x1xf32> to vector<64x50xf32>
    %eq3A_276 = arith.cmpf oeq, %select_n3A_271, %eq3A_275 : vector<64x50xf32>
    %or3A_277 = arith.ori %or3A_268, %eq3A_276 : vector<64x50xi1>
    %jit3A_278 = arith.constant -1.000000e+30 : f32
    %broadcast_in_dim3A_279 = vector.broadcast %jit3A_278 : f32 to vector<64x50xf32>
    %select_n3A_280 = arith.select %eq3A_276, %broadcast_in_dim3A_279, %select_n3A_271 : vector<64x50xi1>, vector<64x50xf32>
    %reduce_max3A_281 = arith.constant dense<0xFF800000> : vector<64xf32>
    %reduce_max3A_282 = vector.multi_reduction <maximumf>, %select_n3A_280, %reduce_max3A_281 [1] : vector<64x50xf32> to vector<64xf32>
    %broadcast_in_dim3A_283 = vector.shape_cast %reduce_max3A_282 : vector<64xf32> to vector<64x1xf32>
    %eq3A_284 = vector.broadcast %broadcast_in_dim3A_283 : vector<64x1xf32> to vector<64x50xf32>
    %eq3A_285 = arith.cmpf oeq, %select_n3A_280, %eq3A_284 : vector<64x50xf32>
    %or3A_286 = arith.ori %or3A_277, %eq3A_285 : vector<64x50xi1>
    %jit3A_287 = arith.constant -1.000000e+30 : f32
    %broadcast_in_dim3A_288 = vector.broadcast %jit3A_287 : f32 to vector<64x50xf32>
    %select_n3A_289 = arith.select %eq3A_285, %broadcast_in_dim3A_288, %select_n3A_280 : vector<64x50xi1>, vector<64x50xf32>
    %reduce_max3A_290 = arith.constant dense<0xFF800000> : vector<64xf32>
    %reduce_max3A_291 = vector.multi_reduction <maximumf>, %select_n3A_289, %reduce_max3A_290 [1] : vector<64x50xf32> to vector<64xf32>
    %broadcast_in_dim3A_292 = vector.shape_cast %reduce_max3A_291 : vector<64xf32> to vector<64x1xf32>
    %eq3A_293 = vector.broadcast %broadcast_in_dim3A_292 : vector<64x1xf32> to vector<64x50xf32>
    %eq3A_294 = arith.cmpf oeq, %select_n3A_289, %eq3A_293 : vector<64x50xf32>
    %or3A_295 = arith.ori %or3A_286, %eq3A_294 : vector<64x50xi1>
    %jit3A_296 = arith.constant -1.000000e+30 : f32
    %broadcast_in_dim3A_297 = vector.broadcast %jit3A_296 : f32 to vector<64x50xf32>
    %select_n3A_298 = arith.select %eq3A_294, %broadcast_in_dim3A_297, %select_n3A_289 : vector<64x50xi1>, vector<64x50xf32>
    %reduce_max3A_299 = arith.constant dense<0xFF800000> : vector<64xf32>
    %reduce_max3A_300 = vector.multi_reduction <maximumf>, %select_n3A_298, %reduce_max3A_299 [1] : vector<64x50xf32> to vector<64xf32>
    %broadcast_in_dim3A_301 = vector.shape_cast %reduce_max3A_300 : vector<64xf32> to vector<64x1xf32>
    %eq3A_302 = vector.broadcast %broadcast_in_dim3A_301 : vector<64x1xf32> to vector<64x50xf32>
    %eq3A_303 = arith.cmpf oeq, %select_n3A_298, %eq3A_302 : vector<64x50xf32>
    %or3A_304 = arith.ori %or3A_295, %eq3A_303 : vector<64x50xi1>
    %jit3A_305 = arith.constant -1.000000e+30 : f32
    %broadcast_in_dim3A_306 = vector.broadcast %jit3A_305 : f32 to vector<64x50xf32>
    %select_n3A_307 = arith.select %eq3A_303, %broadcast_in_dim3A_306, %select_n3A_298 : vector<64x50xi1>, vector<64x50xf32>
    %reduce_max3A_308 = arith.constant dense<0xFF800000> : vector<64xf32>
    %reduce_max3A_309 = vector.multi_reduction <maximumf>, %select_n3A_307, %reduce_max3A_308 [1] : vector<64x50xf32> to vector<64xf32>
    %broadcast_in_dim3A_310 = vector.shape_cast %reduce_max3A_309 : vector<64xf32> to vector<64x1xf32>
    %eq3A_311 = vector.broadcast %broadcast_in_dim3A_310 : vector<64x1xf32> to vector<64x50xf32>
    %eq3A_312 = arith.cmpf oeq, %select_n3A_307, %eq3A_311 : vector<64x50xf32>
    %or3A_313 = arith.ori %or3A_304, %eq3A_312 : vector<64x50xi1>
    %jit3A_314 = arith.constant -1.000000e+30 : f32
    %broadcast_in_dim3A_315 = vector.broadcast %jit3A_314 : f32 to vector<64x50xf32>
    %select_n3A_316 = arith.select %eq3A_312, %broadcast_in_dim3A_315, %select_n3A_307 : vector<64x50xi1>, vector<64x50xf32>
    %reduce_max3A_317 = arith.constant dense<0xFF800000> : vector<64xf32>
    %reduce_max3A_318 = vector.multi_reduction <maximumf>, %select_n3A_316, %reduce_max3A_317 [1] : vector<64x50xf32> to vector<64xf32>
    %broadcast_in_dim3A_319 = vector.shape_cast %reduce_max3A_318 : vector<64xf32> to vector<64x1xf32>
    %eq3A_320 = vector.broadcast %broadcast_in_dim3A_319 : vector<64x1xf32> to vector<64x50xf32>
    %eq3A_321 = arith.cmpf oeq, %select_n3A_316, %eq3A_320 : vector<64x50xf32>
    %or3A_322 = arith.ori %or3A_313, %eq3A_321 : vector<64x50xi1>
    %jit3A_323 = arith.constant -1.000000e+30 : f32
    %broadcast_in_dim3A_324 = vector.broadcast %jit3A_323 : f32 to vector<64x50xf32>
    %select_n3A_325 = arith.select %eq3A_321, %broadcast_in_dim3A_324, %select_n3A_316 : vector<64x50xi1>, vector<64x50xf32>
    %reduce_max3A_326 = arith.constant dense<0xFF800000> : vector<64xf32>
    %reduce_max3A_327 = vector.multi_reduction <maximumf>, %select_n3A_325, %reduce_max3A_326 [1] : vector<64x50xf32> to vector<64xf32>
    %broadcast_in_dim3A_328 = vector.shape_cast %reduce_max3A_327 : vector<64xf32> to vector<64x1xf32>
    %eq3A_329 = vector.broadcast %broadcast_in_dim3A_328 : vector<64x1xf32> to vector<64x50xf32>
    %eq3A_330 = arith.cmpf oeq, %select_n3A_325, %eq3A_329 : vector<64x50xf32>
    %or3A_331 = arith.ori %or3A_322, %eq3A_330 : vector<64x50xi1>
    %jit3A_332 = arith.constant -1.000000e+30 : f32
    %broadcast_in_dim3A_333 = vector.broadcast %jit3A_332 : f32 to vector<64x50xf32>
    %select_n3A_334 = arith.select %eq3A_330, %broadcast_in_dim3A_333, %select_n3A_325 : vector<64x50xi1>, vector<64x50xf32>
    %reduce_max3A_335 = arith.constant dense<0xFF800000> : vector<64xf32>
    %reduce_max3A_336 = vector.multi_reduction <maximumf>, %select_n3A_334, %reduce_max3A_335 [1] : vector<64x50xf32> to vector<64xf32>
    %broadcast_in_dim3A_337 = vector.shape_cast %reduce_max3A_336 : vector<64xf32> to vector<64x1xf32>
    %eq3A_338 = vector.broadcast %broadcast_in_dim3A_337 : vector<64x1xf32> to vector<64x50xf32>
    %eq3A_339 = arith.cmpf oeq, %select_n3A_334, %eq3A_338 : vector<64x50xf32>
    %or3A_340 = arith.ori %or3A_331, %eq3A_339 : vector<64x50xi1>
    %jit3A_341 = arith.constant -1.000000e+30 : f32
    %broadcast_in_dim3A_342 = vector.broadcast %jit3A_341 : f32 to vector<64x50xf32>
    %select_n3A_343 = arith.select %eq3A_339, %broadcast_in_dim3A_342, %select_n3A_334 : vector<64x50xi1>, vector<64x50xf32>
    %reduce_max3A_344 = arith.constant dense<0xFF800000> : vector<64xf32>
    %reduce_max3A_345 = vector.multi_reduction <maximumf>, %select_n3A_343, %reduce_max3A_344 [1] : vector<64x50xf32> to vector<64xf32>
    %broadcast_in_dim3A_346 = vector.shape_cast %reduce_max3A_345 : vector<64xf32> to vector<64x1xf32>
    %eq3A_347 = vector.broadcast %broadcast_in_dim3A_346 : vector<64x1xf32> to vector<64x50xf32>
    %eq3A_348 = arith.cmpf oeq, %select_n3A_343, %eq3A_347 : vector<64x50xf32>
    %or3A_349 = arith.ori %or3A_340, %eq3A_348 : vector<64x50xi1>
    %jit3A_350 = arith.constant -1.000000e+30 : f32
    %broadcast_in_dim3A_351 = vector.broadcast %jit3A_350 : f32 to vector<64x50xf32>
    %select_n3A_352 = arith.select %eq3A_348, %broadcast_in_dim3A_351, %select_n3A_343 : vector<64x50xi1>, vector<64x50xf32>
    %reduce_max3A_353 = arith.constant dense<0xFF800000> : vector<64xf32>
    %reduce_max3A_354 = vector.multi_reduction <maximumf>, %select_n3A_352, %reduce_max3A_353 [1] : vector<64x50xf32> to vector<64xf32>
    %broadcast_in_dim3A_355 = vector.shape_cast %reduce_max3A_354 : vector<64xf32> to vector<64x1xf32>
    %eq3A_356 = vector.broadcast %broadcast_in_dim3A_355 : vector<64x1xf32> to vector<64x50xf32>
    %eq3A_357 = arith.cmpf oeq, %select_n3A_352, %eq3A_356 : vector<64x50xf32>
    %or3A_358 = arith.ori %or3A_349, %eq3A_357 : vector<64x50xi1>
    %jit3A_359 = arith.constant -1.000000e+30 : f32
    %broadcast_in_dim3A_360 = vector.broadcast %jit3A_359 : f32 to vector<64x50xf32>
    %select_n3A_361 = arith.select %eq3A_357, %broadcast_in_dim3A_360, %select_n3A_352 : vector<64x50xi1>, vector<64x50xf32>
    %reduce_max3A_362 = arith.constant dense<0xFF800000> : vector<64xf32>
    %reduce_max3A_363 = vector.multi_reduction <maximumf>, %select_n3A_361, %reduce_max3A_362 [1] : vector<64x50xf32> to vector<64xf32>
    %broadcast_in_dim3A_364 = vector.shape_cast %reduce_max3A_363 : vector<64xf32> to vector<64x1xf32>
    %eq3A_365 = vector.broadcast %broadcast_in_dim3A_364 : vector<64x1xf32> to vector<64x50xf32>
    %eq3A_366 = arith.cmpf oeq, %select_n3A_361, %eq3A_365 : vector<64x50xf32>
    %or3A_367 = arith.ori %or3A_358, %eq3A_366 : vector<64x50xi1>
    %jit3A_368 = arith.constant -1.000000e+30 : f32
    %broadcast_in_dim3A_369 = vector.broadcast %jit3A_368 : f32 to vector<64x50xf32>
    %select_n3A_370 = arith.select %eq3A_366, %broadcast_in_dim3A_369, %select_n3A_361 : vector<64x50xi1>, vector<64x50xf32>
    %reduce_max3A_371 = arith.constant dense<0xFF800000> : vector<64xf32>
    %reduce_max3A_372 = vector.multi_reduction <maximumf>, %select_n3A_370, %reduce_max3A_371 [1] : vector<64x50xf32> to vector<64xf32>
    %broadcast_in_dim3A_373 = vector.shape_cast %reduce_max3A_372 : vector<64xf32> to vector<64x1xf32>
    %eq3A_374 = vector.broadcast %broadcast_in_dim3A_373 : vector<64x1xf32> to vector<64x50xf32>
    %eq3A_375 = arith.cmpf oeq, %select_n3A_370, %eq3A_374 : vector<64x50xf32>
    %or3A_376 = arith.ori %or3A_367, %eq3A_375 : vector<64x50xi1>
    %jit3A_377 = arith.constant -1.000000e+30 : f32
    %broadcast_in_dim3A_378 = vector.broadcast %jit3A_377 : f32 to vector<64x50xf32>
    %select_n3A_379 = arith.select %eq3A_375, %broadcast_in_dim3A_378, %select_n3A_370 : vector<64x50xi1>, vector<64x50xf32>
    %reduce_max3A_380 = arith.constant dense<0xFF800000> : vector<64xf32>
    %reduce_max3A_381 = vector.multi_reduction <maximumf>, %select_n3A_379, %reduce_max3A_380 [1] : vector<64x50xf32> to vector<64xf32>
    %broadcast_in_dim3A_382 = vector.shape_cast %reduce_max3A_381 : vector<64xf32> to vector<64x1xf32>
    %eq3A_383 = vector.broadcast %broadcast_in_dim3A_382 : vector<64x1xf32> to vector<64x50xf32>
    %eq3A_384 = arith.cmpf oeq, %select_n3A_379, %eq3A_383 : vector<64x50xf32>
    %or3A_385 = arith.ori %or3A_376, %eq3A_384 : vector<64x50xi1>
    %jit3A_386 = arith.constant -1.000000e+30 : f32
    %broadcast_in_dim3A_387 = vector.broadcast %jit3A_386 : f32 to vector<64x50xf32>
    %select_n3A_388 = arith.select %eq3A_384, %broadcast_in_dim3A_387, %select_n3A_379 : vector<64x50xi1>, vector<64x50xf32>
    %reduce_max3A_389 = arith.constant dense<0xFF800000> : vector<64xf32>
    %reduce_max3A_390 = vector.multi_reduction <maximumf>, %select_n3A_388, %reduce_max3A_389 [1] : vector<64x50xf32> to vector<64xf32>
    %broadcast_in_dim3A_391 = vector.shape_cast %reduce_max3A_390 : vector<64xf32> to vector<64x1xf32>
    %eq3A_392 = vector.broadcast %broadcast_in_dim3A_391 : vector<64x1xf32> to vector<64x50xf32>
    %eq3A_393 = arith.cmpf oeq, %select_n3A_388, %eq3A_392 : vector<64x50xf32>
    %or3A_394 = arith.ori %or3A_385, %eq3A_393 : vector<64x50xi1>
    %jit3A_395 = arith.constant -1.000000e+30 : f32
    %broadcast_in_dim3A_396 = vector.broadcast %jit3A_395 : f32 to vector<64x50xf32>
    %select_n3A_397 = arith.select %eq3A_393, %broadcast_in_dim3A_396, %select_n3A_388 : vector<64x50xi1>, vector<64x50xf32>
    %reduce_max3A_398 = arith.constant dense<0xFF800000> : vector<64xf32>
    %reduce_max3A_399 = vector.multi_reduction <maximumf>, %select_n3A_397, %reduce_max3A_398 [1] : vector<64x50xf32> to vector<64xf32>
    %broadcast_in_dim3A_400 = vector.shape_cast %reduce_max3A_399 : vector<64xf32> to vector<64x1xf32>
    %eq3A_401 = vector.broadcast %broadcast_in_dim3A_400 : vector<64x1xf32> to vector<64x50xf32>
    %eq3A_402 = arith.cmpf oeq, %select_n3A_397, %eq3A_401 : vector<64x50xf32>
    %or3A_403 = arith.ori %or3A_394, %eq3A_402 : vector<64x50xi1>
    %jit3A_404 = arith.constant -1.000000e+30 : f32
    %broadcast_in_dim3A_405 = vector.broadcast %jit3A_404 : f32 to vector<64x50xf32>
    %select_n3A_406 = arith.select %eq3A_402, %broadcast_in_dim3A_405, %select_n3A_397 : vector<64x50xi1>, vector<64x50xf32>
    %reduce_max3A_407 = arith.constant dense<0xFF800000> : vector<64xf32>
    %reduce_max3A_408 = vector.multi_reduction <maximumf>, %select_n3A_406, %reduce_max3A_407 [1] : vector<64x50xf32> to vector<64xf32>
    %broadcast_in_dim3A_409 = vector.shape_cast %reduce_max3A_408 : vector<64xf32> to vector<64x1xf32>
    %eq3A_410 = vector.broadcast %broadcast_in_dim3A_409 : vector<64x1xf32> to vector<64x50xf32>
    %eq3A_411 = arith.cmpf oeq, %select_n3A_406, %eq3A_410 : vector<64x50xf32>
    %or3A_412 = arith.ori %or3A_403, %eq3A_411 : vector<64x50xi1>
    %jit3A_413 = arith.constant -1.000000e+30 : f32
    %broadcast_in_dim3A_414 = vector.broadcast %jit3A_413 : f32 to vector<64x50xf32>
    %select_n3A_415 = arith.select %eq3A_411, %broadcast_in_dim3A_414, %select_n3A_406 : vector<64x50xi1>, vector<64x50xf32>
    %reduce_max3A_416 = arith.constant dense<0xFF800000> : vector<64xf32>
    %reduce_max3A_417 = vector.multi_reduction <maximumf>, %select_n3A_415, %reduce_max3A_416 [1] : vector<64x50xf32> to vector<64xf32>
    %broadcast_in_dim3A_418 = vector.shape_cast %reduce_max3A_417 : vector<64xf32> to vector<64x1xf32>
    %eq3A_419 = vector.broadcast %broadcast_in_dim3A_418 : vector<64x1xf32> to vector<64x50xf32>
    %eq3A_420 = arith.cmpf oeq, %select_n3A_415, %eq3A_419 : vector<64x50xf32>
    %or3A_421 = arith.ori %or3A_412, %eq3A_420 : vector<64x50xi1>
    %jit3A_422 = arith.constant -1.000000e+30 : f32
    %broadcast_in_dim3A_423 = vector.broadcast %jit3A_422 : f32 to vector<64x50xf32>
    %select_n3A_424 = arith.select %eq3A_420, %broadcast_in_dim3A_423, %select_n3A_415 : vector<64x50xi1>, vector<64x50xf32>
    %reduce_max3A_425 = arith.constant dense<0xFF800000> : vector<64xf32>
    %reduce_max3A_426 = vector.multi_reduction <maximumf>, %select_n3A_424, %reduce_max3A_425 [1] : vector<64x50xf32> to vector<64xf32>
    %broadcast_in_dim3A_427 = vector.shape_cast %reduce_max3A_426 : vector<64xf32> to vector<64x1xf32>
    %eq3A_428 = vector.broadcast %broadcast_in_dim3A_427 : vector<64x1xf32> to vector<64x50xf32>
    %eq3A_429 = arith.cmpf oeq, %select_n3A_424, %eq3A_428 : vector<64x50xf32>
    %or3A_430 = arith.ori %or3A_421, %eq3A_429 : vector<64x50xi1>
    %jit3A_431 = arith.constant -1.000000e+30 : f32
    %broadcast_in_dim3A_432 = vector.broadcast %jit3A_431 : f32 to vector<64x50xf32>
    %select_n3A_433 = arith.select %or3A_430, %add3A_75, %broadcast_in_dim3A_432 : vector<64x50xi1>, vector<64x50xf32>
    %reduce_max3A_434 = arith.constant dense<0xFF800000> : vector<64xf32>
    %reduce_max3A_435 = vector.multi_reduction <maximumf>, %select_n3A_433, %reduce_max3A_434 [1] : vector<64x50xf32> to vector<64xf32>
    %broadcast_in_dim3A_436 = vector.shape_cast %reduce_max3A_435 : vector<64xf32> to vector<64x1xf32>
    %sub3A_437 = vector.broadcast %broadcast_in_dim3A_436 : vector<64x1xf32> to vector<64x50xf32>
    %sub3A_438 = arith.subf %add3A_75, %sub3A_437 : vector<64x50xf32>
    %exp3A_439 = math.exp %sub3A_438 : vector<64x50xf32>
    %jit3A_440 = arith.constant 0.000000e+00 : f32
    %broadcast_in_dim3A_441 = vector.broadcast %jit3A_440 : f32 to vector<64x50xf32>
    %select_n3A_442 = arith.select %or3A_430, %exp3A_439, %broadcast_in_dim3A_441 : vector<64x50xi1>, vector<64x50xf32>
    %reduce_sum3A_443 = arith.constant dense<0.000000e+00> : vector<64xf32>
    %reduce_sum3A_444 = vector.multi_reduction <add>, %select_n3A_442, %reduce_sum3A_443 [1] : vector<64x50xf32> to vector<64xf32>
    %broadcast_in_dim3A_445 = vector.shape_cast %reduce_sum3A_444 : vector<64xf32> to vector<64x1xf32>
    %div3A = vector.broadcast %broadcast_in_dim3A_445 : vector<64x1xf32> to vector<64x50xf32>
    %div3A_446 = arith.divf %select_n3A_442, %div3A : vector<64x50xf32>
    %reshape3A_447 = vector.shape_cast %add3A_26 : vector<3200x512xf32> to vector<64x50x512xf32>
    %broadcast_in_dim3A_448 = vector.shape_cast %div3A_446 : vector<64x50xf32> to vector<64x50x1xf32>
    %mul3A_449 = vector.broadcast %broadcast_in_dim3A_448 : vector<64x50x1xf32> to vector<64x50x512xf32>
    %mul3A_450 = arith.mulf %reshape3A_447, %mul3A_449 : vector<64x50x512xf32>
    %reduce_sum3A_451 = arith.constant dense<0.000000e+00> : vector<64x512xf32>
    %reduce_sum3A_452 = vector.multi_reduction <add>, %mul3A_450, %reduce_sum3A_451 [1] : vector<64x50x512xf32> to vector<64x512xf32>
    %get3A_453 = arith.constant 0 : index
    %get3A_454 = arith.constant 0 : index
    %get3A_455 = vector.load %arg12[%get3A_453, %get3A_454] : memref<160x96xf32, #tpu.memory_space<vmem>>, vector<160x96xf32>
    %dot_general3A_456 = arith.constant dense<0.000000e+00> : vector<64x96xf32>
    %dot_general3A_457 = tpu.matmul %get3A_3, %get3A_455, %dot_general3A_456 {dimension_numbers = #tpu.dot_dimension_numbers<[1], [0], [0], [1], [0, 0, 1, 1], [], []>, transpose_lhs_hint = false} : vector<64x160xf32>, vector<160x96xf32>, vector<64x96xf32> -> vector<64x96xf32>
    %get3A_458 = arith.constant 0 : index
    %get3A_459 = arith.constant 0 : index
    %get3A_460 = vector.load %arg13[%get3A_458, %get3A_459] : memref<1x96xf32, #tpu.memory_space<vmem>>, vector<1x96xf32>
    %add3A_461 = vector.broadcast %get3A_460 : vector<1x96xf32> to vector<64x96xf32>
    %add3A_462 = arith.addf %dot_general3A_457, %add3A_461 : vector<64x96xf32>
    %get3A_463 = arith.constant 0 : index
    %get3A_464 = arith.constant 0 : index
    %get3A_465 = vector.load %arg14[%get3A_463, %get3A_464] : memref<160x96xf32, #tpu.memory_space<vmem>>, vector<160x96xf32>
    %dot_general3A_466 = arith.constant dense<0.000000e+00> : vector<64x96xf32>
    %dot_general3A_467 = tpu.matmul %get3A_3, %get3A_465, %dot_general3A_466 {dimension_numbers = #tpu.dot_dimension_numbers<[1], [0], [0], [1], [0, 0, 1, 1], [], []>, transpose_lhs_hint = false} : vector<64x160xf32>, vector<160x96xf32>, vector<64x96xf32> -> vector<64x96xf32>
    %get3A_468 = arith.constant 0 : index
    %get3A_469 = arith.constant 0 : index
    %get3A_470 = vector.load %arg15[%get3A_468, %get3A_469] : memref<512x96xf32, #tpu.memory_space<vmem>>, vector<512x96xf32>
    %dot_general3A_471 = arith.constant dense<0.000000e+00> : vector<64x96xf32>
    %dot_general3A_472 = tpu.matmul %reduce_sum3A_452, %get3A_470, %dot_general3A_471 {dimension_numbers = #tpu.dot_dimension_numbers<[1], [0], [0], [1], [0, 0, 1, 1], [], []>, transpose_lhs_hint = false} : vector<64x512xf32>, vector<512x96xf32>, vector<64x96xf32> -> vector<64x96xf32>
    %add3A_473 = arith.addf %dot_general3A_467, %dot_general3A_472 : vector<64x96xf32>
    %get3A_474 = arith.constant 0 : index
    %get3A_475 = arith.constant 0 : index
    %get3A_476 = vector.load %arg16[%get3A_474, %get3A_475] : memref<1x96xf32, #tpu.memory_space<vmem>>, vector<1x96xf32>
    %add3A_477 = vector.broadcast %get3A_476 : vector<1x96xf32> to vector<64x96xf32>
    %add3A_478 = arith.addf %add3A_473, %add3A_477 : vector<64x96xf32>
    %get3A_479 = arith.constant 0 : index
    %get3A_480 = arith.constant 0 : index
    %get3A_481 = vector.load %arg17[%get3A_479, %get3A_480] : memref<96x96xf32, #tpu.memory_space<vmem>>, vector<96x96xf32>
    %dot_general3A_482 = arith.constant dense<0.000000e+00> : vector<64x96xf32>
    %dot_general3A_483 = tpu.matmul %add3A_478, %get3A_481, %dot_general3A_482 {dimension_numbers = #tpu.dot_dimension_numbers<[1], [0], [0], [1], [0, 0, 1, 1], [], []>, transpose_lhs_hint = false} : vector<64x96xf32>, vector<96x96xf32>, vector<64x96xf32> -> vector<64x96xf32>
    %get3A_484 = arith.constant 0 : index
    %get3A_485 = arith.constant 0 : index
    %get3A_486 = vector.load %arg18[%get3A_484, %get3A_485] : memref<1x96xf32, #tpu.memory_space<vmem>>, vector<1x96xf32>
    %add3A_487 = vector.broadcast %get3A_486 : vector<1x96xf32> to vector<64x96xf32>
    %add3A_488 = arith.addf %dot_general3A_483, %add3A_487 : vector<64x96xf32>
    %get3A_489 = arith.constant 0 : index
    %get3A_490 = arith.constant 0 : index
    %get3A_491 = vector.load %arg19[%get3A_489, %get3A_490] : memref<96x96xf32, #tpu.memory_space<vmem>>, vector<96x96xf32>
    %dot_general3A_492 = arith.constant dense<0.000000e+00> : vector<64x96xf32>
    %dot_general3A_493 = tpu.matmul %add3A_488, %get3A_491, %dot_general3A_492 {dimension_numbers = #tpu.dot_dimension_numbers<[1], [0], [0], [1], [0, 0, 1, 1], [], []>, transpose_lhs_hint = false} : vector<64x96xf32>, vector<96x96xf32>, vector<64x96xf32> -> vector<64x96xf32>
    %get3A_494 = arith.constant 0 : index
    %get3A_495 = arith.constant 0 : index
    %get3A_496 = vector.load %arg20[%get3A_494, %get3A_495] : memref<1x96xf32, #tpu.memory_space<vmem>>, vector<1x96xf32>
    %add3A_497 = vector.broadcast %get3A_496 : vector<1x96xf32> to vector<64x96xf32>
    %add3A_498 = arith.addf %dot_general3A_493, %add3A_497 : vector<64x96xf32>
    %add3A_499 = arith.addf %add3A_462, %add3A_498 : vector<64x96xf32>
    %get3A_500 = arith.constant 0 : index
    %get3A_501 = arith.constant 0 : index
    %get3A_502 = vector.load %arg21[%get3A_500, %get3A_501] : memref<1x96xf32, #tpu.memory_space<vmem>>, vector<1x96xf32>
    %get3A_503 = arith.constant 0 : index
    %get3A_504 = arith.constant 0 : index
    %get3A_505 = vector.load %arg22[%get3A_503, %get3A_504] : memref<1x96xf32, #tpu.memory_space<vmem>>, vector<1x96xf32>
    %reduce_sum3A_506 = arith.constant dense<0.000000e+00> : vector<64xf32>
    %reduce_sum3A_507 = vector.multi_reduction <add>, %add3A_499, %reduce_sum3A_506 [1] : vector<64x96xf32> to vector<64xf32>
    %broadcast_in_dim3A_508 = vector.shape_cast %reduce_sum3A_507 : vector<64xf32> to vector<64x1xf32>
    %div3A_509 = arith.constant 9.600000e+01 : f32
    %div3A_510 = vector.broadcast %div3A_509 : f32 to vector<64x1xf32>
    %div3A_511 = arith.divf %broadcast_in_dim3A_508, %div3A_510 : vector<64x1xf32>
    %jit3A_512 = arith.constant 0 : i32
    %reduce_sum3A_513 = arith.constant dense<0.000000e+00> : vector<64xf32>
    %reduce_sum3A_514 = vector.multi_reduction <add>, %add3A_499, %reduce_sum3A_513 [1] : vector<64x96xf32> to vector<64xf32>
    %broadcast_in_dim3A_515 = vector.shape_cast %reduce_sum3A_514 : vector<64xf32> to vector<64x1xf32>
    %div3A_516 = arith.constant 9.600000e+01 : f32
    %div3A_517 = vector.broadcast %div3A_516 : f32 to vector<64x1xf32>
    %div3A_518 = arith.divf %broadcast_in_dim3A_515, %div3A_517 : vector<64x1xf32>
    %sub3A_519 = vector.broadcast %div3A_518 : vector<64x1xf32> to vector<64x96xf32>
    %sub3A_520 = arith.subf %add3A_499, %sub3A_519 : vector<64x96xf32>
    %square3A = arith.mulf %sub3A_520, %sub3A_520 : vector<64x96xf32>
    %convert_element_type3A_521 = arith.sitofp %jit3A_512 : i32 to f32
    %sub3A_522 = arith.constant 9.600000e+01 : f32
    %sub3A_523 = arith.subf %sub3A_522, %convert_element_type3A_521 : f32
    %reduce_sum3A_524 = arith.constant dense<0.000000e+00> : vector<64xf32>
    %reduce_sum3A_525 = vector.multi_reduction <add>, %square3A, %reduce_sum3A_524 [1] : vector<64x96xf32> to vector<64xf32>
    %broadcast_in_dim3A_526 = vector.shape_cast %reduce_sum3A_525 : vector<64xf32> to vector<64x1xf32>
    %div3A_527 = vector.broadcast %sub3A_523 : f32 to vector<64x1xf32>
    %div3A_528 = arith.divf %broadcast_in_dim3A_526, %div3A_527 : vector<64x1xf32>
    %gt3A = arith.constant 0.000000e+00 : f32
    %gt3A_529 = arith.cmpf ogt, %sub3A_523, %gt3A : f32
    %jit3A_530 = arith.constant 0x7FC00000 : f32
    %broadcast_in_dim3A_531 = vector.broadcast %jit3A_530 : f32 to vector<64x1xf32>
    %select_n3A_532 = arith.select %gt3A_529, %div3A_528, %broadcast_in_dim3A_531 : vector<64x1xf32>
    %sub3A_533 = vector.broadcast %div3A_511 : vector<64x1xf32> to vector<64x96xf32>
    %sub3A_534 = arith.subf %add3A_499, %sub3A_533 : vector<64x96xf32>
    %add3A_535 = arith.constant 9.99999974E-6 : f32
    %add3A_536 = vector.broadcast %add3A_535 : f32 to vector<64x1xf32>
    %add3A_537 = arith.addf %select_n3A_532, %add3A_536 : vector<64x1xf32>
    %sqrt3A = math.sqrt %add3A_537 : vector<64x1xf32>
    %div3A_538 = vector.broadcast %sqrt3A : vector<64x1xf32> to vector<64x96xf32>
    %div3A_539 = arith.divf %sub3A_534, %div3A_538 : vector<64x96xf32>
    %mul3A_540 = vector.broadcast %get3A_502 : vector<1x96xf32> to vector<64x96xf32>
    %mul3A_541 = arith.mulf %div3A_539, %mul3A_540 : vector<64x96xf32>
    %add3A_542 = vector.broadcast %get3A_505 : vector<1x96xf32> to vector<64x96xf32>
    %add3A_543 = arith.addf %mul3A_541, %add3A_542 : vector<64x96xf32>
    %get3A_544 = arith.constant 0 : index
    %get3A_545 = arith.constant 0 : index
    %get3A_546 = vector.load %arg23[%get3A_544, %get3A_545] : memref<96x384xf32, #tpu.memory_space<vmem>>, vector<96x384xf32>
    %dot_general3A_547 = arith.constant dense<0.000000e+00> : vector<64x384xf32>
    %dot_general3A_548 = tpu.matmul %add3A_543, %get3A_546, %dot_general3A_547 {dimension_numbers = #tpu.dot_dimension_numbers<[1], [0], [0], [1], [0, 0, 1, 1], [], []>, transpose_lhs_hint = false} : vector<64x96xf32>, vector<96x384xf32>, vector<64x384xf32> -> vector<64x384xf32>
    %get3A_549 = arith.constant 0 : index
    %get3A_550 = arith.constant 0 : index
    %get3A_551 = vector.load %arg24[%get3A_549, %get3A_550] : memref<1x384xf32, #tpu.memory_space<vmem>>, vector<1x384xf32>
    %add3A_552 = vector.broadcast %get3A_551 : vector<1x384xf32> to vector<64x384xf32>
    %add3A_553 = arith.addf %dot_general3A_548, %add3A_552 : vector<64x384xf32>
    %max3A_554 = arith.constant 0.000000e+00 : f32
    %max3A_555 = vector.broadcast %max3A_554 : f32 to vector<64x384xf32>
    %max3A_556 = arith.maximumf %add3A_553, %max3A_555 : vector<64x384xf32>
    %get3A_557 = arith.constant 0 : index
    %get3A_558 = arith.constant 0 : index
    %get3A_559 = vector.load %arg25[%get3A_557, %get3A_558] : memref<384x96xf32, #tpu.memory_space<vmem>>, vector<384x96xf32>
    %dot_general3A_560 = arith.constant dense<0.000000e+00> : vector<64x96xf32>
    %dot_general3A_561 = tpu.matmul %max3A_556, %get3A_559, %dot_general3A_560 {dimension_numbers = #tpu.dot_dimension_numbers<[1], [0], [0], [1], [0, 0, 1, 1], [], []>, transpose_lhs_hint = false} : vector<64x384xf32>, vector<384x96xf32>, vector<64x96xf32> -> vector<64x96xf32>
    %get3A_562 = arith.constant 0 : index
    %get3A_563 = arith.constant 0 : index
    %get3A_564 = vector.load %arg26[%get3A_562, %get3A_563] : memref<1x96xf32, #tpu.memory_space<vmem>>, vector<1x96xf32>
    %add3A_565 = vector.broadcast %get3A_564 : vector<1x96xf32> to vector<64x96xf32>
    %add3A_566 = arith.addf %dot_general3A_561, %add3A_565 : vector<64x96xf32>
    %add3A_567 = arith.addf %add3A_543, %add3A_566 : vector<64x96xf32>
    %get3A_568 = arith.constant 0 : index
    %get3A_569 = arith.constant 0 : index
    %get3A_570 = vector.load %arg27[%get3A_568, %get3A_569] : memref<1x96xf32, #tpu.memory_space<vmem>>, vector<1x96xf32>
    %get3A_571 = arith.constant 0 : index
    %get3A_572 = arith.constant 0 : index
    %get3A_573 = vector.load %arg28[%get3A_571, %get3A_572] : memref<1x96xf32, #tpu.memory_space<vmem>>, vector<1x96xf32>
    %reduce_sum3A_574 = arith.constant dense<0.000000e+00> : vector<64xf32>
    %reduce_sum3A_575 = vector.multi_reduction <add>, %add3A_567, %reduce_sum3A_574 [1] : vector<64x96xf32> to vector<64xf32>
    %broadcast_in_dim3A_576 = vector.shape_cast %reduce_sum3A_575 : vector<64xf32> to vector<64x1xf32>
    %div3A_577 = arith.constant 9.600000e+01 : f32
    %div3A_578 = vector.broadcast %div3A_577 : f32 to vector<64x1xf32>
    %div3A_579 = arith.divf %broadcast_in_dim3A_576, %div3A_578 : vector<64x1xf32>
    %jit3A_580 = arith.constant 0 : i32
    %reduce_sum3A_581 = arith.constant dense<0.000000e+00> : vector<64xf32>
    %reduce_sum3A_582 = vector.multi_reduction <add>, %add3A_567, %reduce_sum3A_581 [1] : vector<64x96xf32> to vector<64xf32>
    %broadcast_in_dim3A_583 = vector.shape_cast %reduce_sum3A_582 : vector<64xf32> to vector<64x1xf32>
    %div3A_584 = arith.constant 9.600000e+01 : f32
    %div3A_585 = vector.broadcast %div3A_584 : f32 to vector<64x1xf32>
    %div3A_586 = arith.divf %broadcast_in_dim3A_583, %div3A_585 : vector<64x1xf32>
    %sub3A_587 = vector.broadcast %div3A_586 : vector<64x1xf32> to vector<64x96xf32>
    %sub3A_588 = arith.subf %add3A_567, %sub3A_587 : vector<64x96xf32>
    %square3A_589 = arith.mulf %sub3A_588, %sub3A_588 : vector<64x96xf32>
    %convert_element_type3A_590 = arith.sitofp %jit3A_580 : i32 to f32
    %sub3A_591 = arith.constant 9.600000e+01 : f32
    %sub3A_592 = arith.subf %sub3A_591, %convert_element_type3A_590 : f32
    %reduce_sum3A_593 = arith.constant dense<0.000000e+00> : vector<64xf32>
    %reduce_sum3A_594 = vector.multi_reduction <add>, %square3A_589, %reduce_sum3A_593 [1] : vector<64x96xf32> to vector<64xf32>
    %broadcast_in_dim3A_595 = vector.shape_cast %reduce_sum3A_594 : vector<64xf32> to vector<64x1xf32>
    %div3A_596 = vector.broadcast %sub3A_592 : f32 to vector<64x1xf32>
    %div3A_597 = arith.divf %broadcast_in_dim3A_595, %div3A_596 : vector<64x1xf32>
    %gt3A_598 = arith.constant 0.000000e+00 : f32
    %gt3A_599 = arith.cmpf ogt, %sub3A_592, %gt3A_598 : f32
    %jit3A_600 = arith.constant 0x7FC00000 : f32
    %broadcast_in_dim3A_601 = vector.broadcast %jit3A_600 : f32 to vector<64x1xf32>
    %select_n3A_602 = arith.select %gt3A_599, %div3A_597, %broadcast_in_dim3A_601 : vector<64x1xf32>
    %sub3A_603 = vector.broadcast %div3A_579 : vector<64x1xf32> to vector<64x96xf32>
    %sub3A_604 = arith.subf %add3A_567, %sub3A_603 : vector<64x96xf32>
    %add3A_605 = arith.constant 9.99999974E-6 : f32
    %add3A_606 = vector.broadcast %add3A_605 : f32 to vector<64x1xf32>
    %add3A_607 = arith.addf %select_n3A_602, %add3A_606 : vector<64x1xf32>
    %sqrt3A_608 = math.sqrt %add3A_607 : vector<64x1xf32>
    %div3A_609 = vector.broadcast %sqrt3A_608 : vector<64x1xf32> to vector<64x96xf32>
    %div3A_610 = arith.divf %sub3A_604, %div3A_609 : vector<64x96xf32>
    %mul3A_611 = vector.broadcast %get3A_570 : vector<1x96xf32> to vector<64x96xf32>
    %mul3A_612 = arith.mulf %div3A_610, %mul3A_611 : vector<64x96xf32>
    %add3A_613 = vector.broadcast %get3A_573 : vector<1x96xf32> to vector<64x96xf32>
    %add3A_614 = arith.addf %mul3A_612, %add3A_613 : vector<64x96xf32>
    %get3A_615 = arith.constant 0 : index
    %get3A_616 = arith.constant 0 : index
    %get3A_617 = vector.load %arg29[%get3A_615, %get3A_616] : memref<96x96xf32, #tpu.memory_space<vmem>>, vector<96x96xf32>
    %dot_general3A_618 = arith.constant dense<0.000000e+00> : vector<64x96xf32>
    %dot_general3A_619 = tpu.matmul %add3A_614, %get3A_617, %dot_general3A_618 {dimension_numbers = #tpu.dot_dimension_numbers<[1], [0], [0], [1], [0, 0, 1, 1], [], []>, transpose_lhs_hint = false} : vector<64x96xf32>, vector<96x96xf32>, vector<64x96xf32> -> vector<64x96xf32>
    %get3A_620 = arith.constant 0 : index
    %get3A_621 = arith.constant 0 : index
    %get3A_622 = vector.load %arg30[%get3A_620, %get3A_621] : memref<1x96xf32, #tpu.memory_space<vmem>>, vector<1x96xf32>
    %add3A_623 = vector.broadcast %get3A_622 : vector<1x96xf32> to vector<64x96xf32>
    %add3A_624 = arith.addf %dot_general3A_619, %add3A_623 : vector<64x96xf32>
    %max3A_625 = arith.constant 0.000000e+00 : f32
    %max3A_626 = vector.broadcast %max3A_625 : f32 to vector<64x96xf32>
    %max3A_627 = arith.maximumf %add3A_624, %max3A_626 : vector<64x96xf32>
    %get3A_628 = arith.constant 0 : index
    %get3A_629 = arith.constant 0 : index
    %get3A_630 = vector.load %arg31[%get3A_628, %get3A_629] : memref<96x1xf32, #tpu.memory_space<vmem>>, vector<96x1xf32>
    %dot_general3A_631 = arith.constant dense<0.000000e+00> : vector<64x1xf32>
    %dot_general3A_632 = tpu.matmul %max3A_627, %get3A_630, %dot_general3A_631 {dimension_numbers = #tpu.dot_dimension_numbers<[1], [0], [0], [1], [0, 0, 1, 1], [], []>, transpose_lhs_hint = false} : vector<64x96xf32>, vector<96x1xf32>, vector<64x1xf32> -> vector<64x1xf32>
    %get3A_633 = arith.constant 0 : index
    %get3A_634 = arith.constant 0 : index
    %get3A_635 = vector.load %arg32[%get3A_633, %get3A_634] : memref<1x1xf32, #tpu.memory_space<vmem>>, vector<1x1xf32>
    %add3A_636 = vector.broadcast %get3A_635 : vector<1x1xf32> to vector<64x1xf32>
    %add3A_637 = arith.addf %dot_general3A_632, %add3A_636 : vector<64x1xf32>
    %swap3A_638 = arith.constant 0 : index
    %swap3A_639 = arith.constant 0 : index
    %swap3A_640 = vector.load %arg33[%swap3A_638, %swap3A_639] : memref<64x1xf32, #tpu.memory_space<vmem>>, vector<64x1xf32>
    tpu.vector_store %arg33[%swap3A_638, %swap3A_639], %add3A_637 {strides = array<i32>} : memref<64x1xf32, #tpu.memory_space<vmem>>, vector<64x1xf32>,
    return
  }
  func.func @transform_0(%arg0: i32) -> (i32, i32) {
    %c0_i32 = arith.constant 0 : i32
    %c0_i32_0 = arith.constant 0 : i32
    return %arg0, %c0_i32 : i32, i32
  }
  func.func @transform_1(%arg0: i32) -> (i32, i32) {
    %c0_i32 = arith.constant 0 : i32
    %c0_i32_0 = arith.constant 0 : i32
    return %arg0, %c0_i32 : i32, i32
  }
  func.func @transform_2(%arg0: i32) -> (i32, i32) {
    %c0_i32 = arith.constant 0 : i32
    %c0_i32_0 = arith.constant 0 : i32
    return %arg0, %c0_i32 : i32, i32
  }
  func.func @transform_3(%arg0: i32) -> (i32, i32) {
    %c0_i32 = arith.constant 0 : i32
    %c0_i32_0 = arith.constant 0 : i32
    %c0_i32_1 = arith.constant 0 : i32
    return %c0_i32, %c0_i32_0 : i32, i32
  }
  func.func @transform_4(%arg0: i32) -> (i32, i32) {
    %c0_i32 = arith.constant 0 : i32
    %c0_i32_0 = arith.constant 0 : i32
    %c0_i32_1 = arith.constant 0 : i32
    return %c0_i32, %c0_i32_0 : i32, i32
  }
  func.func @transform_5(%arg0: i32) -> (i32, i32) {
    %c0_i32 = arith.constant 0 : i32
    %c0_i32_0 = arith.constant 0 : i32
    %c0_i32_1 = arith.constant 0 : i32
    return %c0_i32, %c0_i32_0 : i32, i32
  }
  func.func @transform_6(%arg0: i32) -> (i32, i32) {
    %c0_i32 = arith.constant 0 : i32
    %c0_i32_0 = arith.constant 0 : i32
    %c0_i32_1 = arith.constant 0 : i32
    return %c0_i32, %c0_i32_0 : i32, i32
  }
  func.func @transform_7(%arg0: i32) -> (i32, i32) {
    %c0_i32 = arith.constant 0 : i32
    %c0_i32_0 = arith.constant 0 : i32
    %c0_i32_1 = arith.constant 0 : i32
    return %c0_i32, %c0_i32_0 : i32, i32
  }
  func.func @transform_8(%arg0: i32) -> (i32, i32) {
    %c0_i32 = arith.constant 0 : i32
    %c0_i32_0 = arith.constant 0 : i32
    %c0_i32_1 = arith.constant 0 : i32
    return %c0_i32, %c0_i32_0 : i32, i32
  }
  func.func @transform_9(%arg0: i32) -> (i32, i32) {
    %c0_i32 = arith.constant 0 : i32
    %c0_i32_0 = arith.constant 0 : i32
    %c0_i32_1 = arith.constant 0 : i32
    return %c0_i32, %c0_i32_0 : i32, i32
  }
  func.func @transform_10(%arg0: i32) -> (i32, i32) {
    %c0_i32 = arith.constant 0 : i32
    %c0_i32_0 = arith.constant 0 : i32
    %c0_i32_1 = arith.constant 0 : i32
    return %c0_i32, %c0_i32_0 : i32, i32
  }
  func.func @transform_11(%arg0: i32) -> (i32, i32) {
    %c0_i32 = arith.constant 0 : i32
    %c0_i32_0 = arith.constant 0 : i32
    %c0_i32_1 = arith.constant 0 : i32
    return %c0_i32, %c0_i32_0 : i32, i32
  }
  func.func @transform_12(%arg0: i32) -> (i32, i32) {
    %c0_i32 = arith.constant 0 : i32
    %c0_i32_0 = arith.constant 0 : i32
    %c0_i32_1 = arith.constant 0 : i32
    return %c0_i32, %c0_i32_0 : i32, i32
  }
  func.func @transform_13(%arg0: i32) -> (i32, i32) {
    %c0_i32 = arith.constant 0 : i32
    %c0_i32_0 = arith.constant 0 : i32
    %c0_i32_1 = arith.constant 0 : i32
    return %c0_i32, %c0_i32_0 : i32, i32
  }
  func.func @transform_14(%arg0: i32) -> (i32, i32) {
    %c0_i32 = arith.constant 0 : i32
    %c0_i32_0 = arith.constant 0 : i32
    %c0_i32_1 = arith.constant 0 : i32
    return %c0_i32, %c0_i32_0 : i32, i32
  }
  func.func @transform_15(%arg0: i32) -> (i32, i32) {
    %c0_i32 = arith.constant 0 : i32
    %c0_i32_0 = arith.constant 0 : i32
    %c0_i32_1 = arith.constant 0 : i32
    return %c0_i32, %c0_i32_0 : i32, i32
  }
  func.func @transform_16(%arg0: i32) -> (i32, i32) {
    %c0_i32 = arith.constant 0 : i32
    %c0_i32_0 = arith.constant 0 : i32
    %c0_i32_1 = arith.constant 0 : i32
    return %c0_i32, %c0_i32_0 : i32, i32
  }
  func.func @transform_17(%arg0: i32) -> (i32, i32) {
    %c0_i32 = arith.constant 0 : i32
    %c0_i32_0 = arith.constant 0 : i32
    %c0_i32_1 = arith.constant 0 : i32
    return %c0_i32, %c0_i32_0 : i32, i32
  }
  func.func @transform_18(%arg0: i32) -> (i32, i32) {
    %c0_i32 = arith.constant 0 : i32
    %c0_i32_0 = arith.constant 0 : i32
    %c0_i32_1 = arith.constant 0 : i32
    return %c0_i32, %c0_i32_0 : i32, i32
  }
  func.func @transform_19(%arg0: i32) -> (i32, i32) {
    %c0_i32 = arith.constant 0 : i32
    %c0_i32_0 = arith.constant 0 : i32
    %c0_i32_1 = arith.constant 0 : i32
    return %c0_i32, %c0_i32_0 : i32, i32
  }
  func.func @transform_20(%arg0: i32) -> (i32, i32) {
    %c0_i32 = arith.constant 0 : i32
    %c0_i32_0 = arith.constant 0 : i32
    %c0_i32_1 = arith.constant 0 : i32
    return %c0_i32, %c0_i32_0 : i32, i32
  }
  func.func @transform_21(%arg0: i32) -> (i32, i32) {
    %c0_i32 = arith.constant 0 : i32
    %c0_i32_0 = arith.constant 0 : i32
    %c0_i32_1 = arith.constant 0 : i32
    return %c0_i32, %c0_i32_0 : i32, i32
  }
  func.func @transform_22(%arg0: i32) -> (i32, i32) {
    %c0_i32 = arith.constant 0 : i32
    %c0_i32_0 = arith.constant 0 : i32
    %c0_i32_1 = arith.constant 0 : i32
    return %c0_i32, %c0_i32_0 : i32, i32
  }
  func.func @transform_23(%arg0: i32) -> (i32, i32) {
    %c0_i32 = arith.constant 0 : i32
    %c0_i32_0 = arith.constant 0 : i32
    %c0_i32_1 = arith.constant 0 : i32
    return %c0_i32, %c0_i32_0 : i32, i32
  }
  func.func @transform_24(%arg0: i32) -> (i32, i32) {
    %c0_i32 = arith.constant 0 : i32
    %c0_i32_0 = arith.constant 0 : i32
    %c0_i32_1 = arith.constant 0 : i32
    return %c0_i32, %c0_i32_0 : i32, i32
  }
  func.func @transform_25(%arg0: i32) -> (i32, i32) {
    %c0_i32 = arith.constant 0 : i32
    %c0_i32_0 = arith.constant 0 : i32
    %c0_i32_1 = arith.constant 0 : i32
    return %c0_i32, %c0_i32_0 : i32, i32
  }
  func.func @transform_26(%arg0: i32) -> (i32, i32) {
    %c0_i32 = arith.constant 0 : i32
    %c0_i32_0 = arith.constant 0 : i32
    %c0_i32_1 = arith.constant 0 : i32
    return %c0_i32, %c0_i32_0 : i32, i32
  }
  func.func @transform_27(%arg0: i32) -> (i32, i32) {
    %c0_i32 = arith.constant 0 : i32
    %c0_i32_0 = arith.constant 0 : i32
    %c0_i32_1 = arith.constant 0 : i32
    return %c0_i32, %c0_i32_0 : i32, i32
  }
  func.func @transform_28(%arg0: i32) -> (i32, i32) {
    %c0_i32 = arith.constant 0 : i32
    %c0_i32_0 = arith.constant 0 : i32
    %c0_i32_1 = arith.constant 0 : i32
    return %c0_i32, %c0_i32_0 : i32, i32
  }
  func.func @transform_29(%arg0: i32) -> (i32, i32) {
    %c0_i32 = arith.constant 0 : i32
    %c0_i32_0 = arith.constant 0 : i32
    %c0_i32_1 = arith.constant 0 : i32
    return %c0_i32, %c0_i32_0 : i32, i32
  }
  func.func @transform_30(%arg0: i32) -> (i32, i32) {
    %c0_i32 = arith.constant 0 : i32
    %c0_i32_0 = arith.constant 0 : i32
    %c0_i32_1 = arith.constant 0 : i32
    return %c0_i32, %c0_i32_0 : i32, i32
  }
  func.func @transform_31(%arg0: i32) -> (i32, i32) {
    %c0_i32 = arith.constant 0 : i32
    %c0_i32_0 = arith.constant 0 : i32
    %c0_i32_1 = arith.constant 0 : i32
    return %c0_i32, %c0_i32_0 : i32, i32
  }
  func.func @transform_32(%arg0: i32) -> (i32, i32) {
    %c0_i32 = arith.constant 0 : i32
    %c0_i32_0 = arith.constant 0 : i32
    return %arg0, %c0_i32 : i32, i32
  }
  func.func @transform_33(%arg0: i32) -> (i32, i32) {
    %c0_i32 = arith.constant 0 : i32
    %c0_i32_0 = arith.constant 0 : i32
    %c0_i32_1 = arith.constant 0 : i32
    return %c0_i32, %c0_i32_0 : i32, i32
  }
}

</mosaic_0001>

<sc_bundles>
// kernel: gather_offload_async_start
scs
__scs_entry_jumppad:
0x0: {  	(pc) =	sbr.rel $0x88, $3  }
0x1: {  	(tag) =	ssettag $0x0;
	lr =	simm.s32 $0x1  }
0x2: {  	[smem:$0x3F7A] =	sst lr;
	_ =	strace $0xD0000000  }
0x3: {  	_ = 	snop  }
0x4: {  	_ = 	snop  }
0x5: {  	_ = 	snop  }
0x6: {  	_ = 	snop  }
0x7: {  	_ = 	snop  }
__scs_overlays_trampoline_lowered:
0x8: {  	[smem:$0x3F89] =	sst s0  }
0x9: {  	[smem:$0x3F8A] =	sst s1  }
0xa: {  	[smem:$0x3F8B] =	sst s2  }
0xb: {  	[smem:$0x3F8C] =	sst s3  }
0xc: {  	[smem:$0x3F8D] =	sst s4  }
0xd: {  	[smem:$0x3F8E] =	sst s5  }
0xe: {  	[smem:$0x3F8F] =	sst s6  }
0xf: {  	[smem:$0x3F90] =	sst s7  }
0x10: {  	[smem:$0x3F91] =	sst s8  }
0x11: {  	[smem:$0x3F92] =	sst s9;
	s0 =	simm.s32 @!p0 $0x0  }
0x12: {  	s1 =	sld [smem:$0x3F78];
	s0 =	simm.s32 @p0 $0x1  }
0x13: {  	[smem:$0x3F93] =	sst s0;
	s0 =	simm.s32 @!p1 $0x0  }
0x14: {  	s2 =	sld [smem:$0x3F77];
	s0 =	simm.s32 @p1 $0x1  }
0x15: {  	[smem:$0x3F94] =	sst s0;
	s0 =	simm.s32 @!p2 $0x0  }
0x16: {  	s3 =	sld [smem:$0x3FDB];
	s0 =	simm.s32 @p2 $0x1  }
0x17: {  	s4 =	simm.s32 $0x1BF5;
	[smem:$0x3F96] =	sst s0  }
0x18: {  	s0 =	sld [smem:$0x3F79];
	_ =	swait.ge [sflag:s4], $0x0  }
0x19: {  	s7 =	sld [smem:$0x3F7A]  }
0x1a: {  	s8 =	sadd.s32 $0xFFFFE003, lr  }
0x1b: {  	s9 =	sadd.s32 $0xFFFFFEF7, lr;
	s5 =	simm.s32 $0xFFFFFFFF;
	p2 =	slt.u32 s8, $0xFFFFF086  }
0x1c: {  	p1 =	slt.u32 s9, $0xF7A;
	s5 =	simm.s32 @!p2 $0x0  }
0x1d: {  	s5 =	simm.s32 @p1 $0x1;
	p0 =	seq.s32 s7, s2  }
0x1e: {  	s7 =	smul.u32 @!p0 $0xF7A, s2;
	p2 =	seq.s32 @!p0 s5, $0x0  }
0x1f: {  	s9 =	smul.u32 $0xF7A, s1;
	s8 =	simm.s32 @!p0 $0x1BF5;
	p2 =	por !p2, p0  }
0x20: {  	[sflag:s8] =	ssyncset.s32 @!p0 $0xFFFFF086;
	s6 =	sadd.s32 @!p0 s3, s7;
	s7 =	simm.s32 @!p0 $0x108  }
0x21: {  	s3 =	sadd.s32 s3, s9;
	s6 =	sadd.s32 @!p0 $0x88, s6;
	s7 =	simm.s32 @p2 $0x1082  }
0x22: {  	[simem:s7], [sflag:s8] =	dma.local @!p0 [hbm:s6], $0xF7A  }
0x23: {  	s9 =	sor.u32 $0xD0000000, s2;
	s6 =	simm.s32 $0x108;
	_ =	swait.ge @!p0 [sflag:s8], $0x0  }
0x24: {  	s3 =	sadd.s32 $0x88, s3;
	s6 =	simm.s32 @!p1 $0x1082;
	[sflag:s4] =	ssyncset.s32 $0xFFFFF086  }
0x25: {  	[simem:s6], [sflag:s4] =	dma.local [hbm:s3], $0xF7A  }
0x26: {  	[smem:$0x3F7A] =	sst s1;
	(tag) =	ssettag s2;
	_ =	strace s9  }
0x27: {  	s1 =	sld [smem:$0x3F8A]  }
0x28: {  	s2 =	sld [smem:$0x3F8B]  }
0x29: {  	s4 =	sld [smem:$0x3F8D]  }
0x2a: {  	p0 =	seq.s32 s5, $0x0;
	s5 =	sld [smem:$0x3F8E]  }
0x2b: {  	s6 =	sld [smem:$0x3F8F]  }
0x2c: {  	s7 =	sld [smem:$0x3F90]  }
0x2d: {  	s3 =	simm.s32 $0x108;
	s8 =	sld [smem:$0x3F91]  }
0x2e: {  	s3 =	simm.s32 @!p0 $0x1082;
	s9 =	sld [smem:$0x3F92]  }
0x2f: {  	lr =	sadd.s32 s0, s3;
	s0 =	sld [smem:$0x3F89]  }
0x30: {  	s3 =	sld [smem:$0x3F8C]  }
0x31: {  	[smem:$0x3F95] =	sst s10  }
0x32: {  	s10 =	sld [smem:$0x3F93];
	_ =	sdelay $0x3  }
0x33: {  	p0 =	seq.s32 s10, $0x1;
	s10 =	sld [smem:$0x3F95];
	_ =	sdelay $0x3  }
0x34: {  	[smem:$0x3F95] =	sst s10  }
0x35: {  	s10 =	sld [smem:$0x3F94];
	_ =	sdelay $0x3  }
0x36: {  	p1 =	seq.s32 s10, $0x1;
	s10 =	sld [smem:$0x3F95];
	_ =	sdelay $0x3  }
0x37: {  	[smem:$0x3F95] =	sst s10  }
0x38: {  	s10 =	sld [smem:$0x3F96]  }
0x39: {  	_ = 	snop;
	(pc) =	sbr.ind lr, $3  }
0x3a: {  	_ = 	snop  }
0x3b: {  	_ = 	snop  }
0x3c: {  	p2 =	seq.s32 s10, $0x1;
	s10 =	sld [smem:$0x3F95]  }
0x3d: {  	_ =	shalt  }
0x3e: {  	_ =	shalt  }
0x3f: {  	_ =	shalt  }
0x40: {  	_ =	shalt  }
0x41: {  	_ =	shalt  }
0x42: {  	_ =	shalt  }
0x43: {  	_ =	shalt  }
0x44: {  	_ =	shalt  }
0x45: {  	_ =	shalt  }
0x46: {  	_ =	shalt  }
0x47: {  	_ =	shalt  }
0x48: {  	_ =	shalt  }
0x49: {  	_ =	shalt  }
0x4a: {  	_ =	shalt  }
0x4b: {  	_ =	shalt  }
0x4c: {  	_ =	shalt  }
0x4d: {  	_ =	shalt  }
0x4e: {  	_ =	shalt  }
0x4f: {  	_ =	shalt  }
0x50: {  	_ =	shalt  }
0x51: {  	_ =	shalt  }
0x52: {  	_ =	shalt  }
0x53: {  	_ =	shalt  }
0x54: {  	_ =	shalt  }
0x55: {  	_ =	shalt  }
0x56: {  	_ =	shalt  }
0x57: {  	_ =	shalt  }
0x58: {  	_ =	shalt  }
0x59: {  	_ =	shalt  }
0x5a: {  	_ =	shalt  }
0x5b: {  	_ =	shalt  }
0x5c: {  	_ =	shalt  }
0x5d: {  	_ =	shalt  }
0x5e: {  	_ =	shalt  }
0x5f: {  	_ =	shalt  }
0x60: {  	_ =	shalt  }
0x61: {  	_ =	shalt  }
0x62: {  	_ =	shalt  }
0x63: {  	_ =	shalt  }
0x64: {  	_ =	shalt  }
0x65: {  	_ =	shalt  }
0x66: {  	_ =	shalt  }
0x67: {  	_ =	shalt  }
0x68: {  	_ =	shalt  }
0x69: {  	_ =	shalt  }
0x6a: {  	_ =	shalt  }
0x6b: {  	_ =	shalt  }
0x6c: {  	_ =	shalt  }
0x6d: {  	_ =	shalt  }
0x6e: {  	_ =	shalt  }
0x6f: {  	_ =	shalt  }
0x70: {  	_ =	shalt  }
0x71: {  	_ =	shalt  }
0x72: {  	_ =	shalt  }
0x73: {  	_ =	shalt  }
0x74: {  	_ =	shalt  }
0x75: {  	_ =	shalt  }
0x76: {  	_ =	shalt  }
0x77: {  	_ =	shalt  }
0x78: {  	_ =	shalt  }
0x79: {  	_ =	shalt  }
0x7a: {  	_ =	shalt  }
0x7b: {  	_ =	shalt  }
0x7c: {  	_ =	shalt  }
0x7d: {  	_ =	shalt  }
0x7e: {  	_ =	shalt  }
0x7f: {  	_ =	shalt  }
0x80: {  	_ =	shalt  }
0x81: {  	_ =	shalt  }
0x82: {  	_ =	shalt  }
0x83: {  	_ =	shalt  }
0x84: {  	_ =	shalt  }
0x85: {  	_ =	shalt  }
0x86: {  	_ =	shalt  }
0x87: {  	_ =	shalt  }
.Lfunc_end0:
.L_simem_size_0:
called_computation_lowered:
.L_overlay_start_0:
0x88: {  	s2 =	sld [smem:$0x3FD9]  }
0x89: {  	s3 =	sld [smem:$0x3FFE];
	_ =	sdelay $0x1  }
0x8a: {  	s1 =	srdreg.scid  }
0x8b: {  	s0 =	sand.u32 $0x1, s1  }
0x8c: {  	s16 =	sshll.u32 s0, $0xA;
	s2 =	sadd.s32 s3, s2  }
0x8d: {  	s2 =	sadd.s32 s2, s16  }
0x8e: {  	[smem:$0x3FA1] =	sst s2  }
0x8f: {  	_ = 	snop  }
0x90: {  	(tm) =	ssettm $0x1  }
0x91: {  	s17 =	sld [smem:$0x3FFB];
	_ =	sdelay $0x3  }
0x92: {  	_ =	strace s17  }
0x93: {  	s2 =	sld [smem:$0x3FFC];
	_ =	sdelay $0x3  }
0x94: {  	_ =	strace s2  }
0x95: {  	s2 =	sld [smem:$0x3FFD];
	_ =	sdelay $0x3  }
0x96: {  	_ =	strace s2  }
0x97: {  	_ =	strace $0x8FFFFFFF  }
0x98: {  	s18 =	sld [smem:$0x3FDB];
	_ =	sdelay $0x1  }
0x99: {  	s19 =	simm.s32 $_scs_section_size  }
0x9a: {  	s4 =	simm.s32 $_size__tile_overlayer_lowered;
	s5 =	simm.s32 $_tile_overlayer_lowered  }
0x9b: {  	s22 =	simm.s32 $0x1BFF;
	s21 =	sshll.u32 s5, $0x1;
	s2 =	sadd.s32 s19, s18  }
0x9c: {  	s6 =	simm.s32 $0x0;
	s20 =	sshll.u32 s4, $0x1;
	s4 =	sadd.s32 s21, s2  }
0x9d: {  	[timem:s6], [sflag:s22] =	dma.local [hbm:s4], s20  }
0x9e: {  	_ =	swait.ge [sflag:s22], s20  }
0x9f: {  	s3 =	ssub.s32 $0x0, s20;
	[sflag:s22] =	ssyncset.done $0x0  }
0xa0: {  	[sflag:s22] =	ssyncadd.s32 s3;
	_ =	sdelay $0x1  }
0xa1: {  	s23 =	simm.s32 $0x1B8B  }
0xa2: {  	_ =	swait.ge [sflag:s23], $0x1  }
0xa3: {  	[sflag:s23] =	ssyncset.done $0x0  }
0xa4: {  	s25 =	simm.s32 $0x1B8E;
	s24 =	sld [smem:$0x3FFE];
	[sflag:s23] =	ssyncadd.s32 $0xFFFFFFFF  }
0xa5: {  	s26 =	simm.s32 $execute0_lowered;
	[smem:$0x3FD2] =	sst s25  }
0xa6: {  	s4 =	sshll.u32 s26, $0x1;
	_ =	strace $0x80000046;
	[dreg:$0x1] =	wrdreg $0xFFFFFFFF  }
0xa7: {  	s28 =	simm.s32 $_size_execute0_lowered;
	s2 =	sadd.s32 s2, s4;
	[dreg:$0x0] =	wrdreg $0x0  }
0xa8: {  	s4 =	sshll.u32 s28, $0x1;
	[dreg:$0x2] =	wrdreg s2  }
0xa9: {  	[dreg:$0x3] =	wrdreg s4  }
0xaa: {  	[dreg:$0x4] =	wrdreg $0xC0  }
0xab: {  	_ =	task [dreg:s6], $0x5FFFF  }
0xac: {  	[dreg:$0x1] =	wrdreg $0xFFFFFFFF  }
0xad: {  	[dreg:$0x0] =	wrdreg $0x60  }
0xae: {  	[dreg:$0x2] =	wrdreg s24  }
0xaf: {  	[dreg:$0x3] =	wrdreg $0x9  }
0xb0: {  	_ =	task.clear_ibuf [dreg:s6], $0x4FFFF;
	_ =	strace $0x90000046  }
0xb1: {  	s29 =	simm.s32 $0x9;
	_ =	strace $0x80000048  }
0xb2: {  	_ =	swait.ge [sflag:s29], $0x1  }
0xb3: {  	[sflag:s29] =	ssyncadd.s32 $0xFFFFFFFF  }
0xb4: {  	_ =	strace $0x90000048  }
0xb5: {  	_ =	sfence  }
0xb6: {  	s30 =	sld [smem:$0x0];
	_ =	sdelay $0x2  }
0xb7: {  	s31 =	sshll.u32 s1, $0xD;
	s1 =	sshrl.u32 s1, $0x2  }
0xb8: {  	s3 =	sand.u32 $0x4000, s31;
	s1 =	sadd.s32 s1, s30  }
0xb9: {  	s0 =	sor.u32 s3, s0;
	s1 =	sshll.u32 s1, $0x11  }
0xba: {  	s0 =	sor.u32 s1, s0  }
0xbb: {  	s0 =	sadd.s32 $0x8F2B, s0  }
0xbc: {  	[sflag:s0] =	ssyncadd.remote.s32 $0x1  }
0xbd: {  	_ =	sfence.sel $0xFFFF  }
0xbe: {  	[dreg:$0x0] =	wrdreg $0xFFFFFFFF;
	(pc) =	sbr.abs _section_cstart, $3  }
0xbf: {  	[dreg:$0x1] =	wrdreg $0xFFFFFFFF  }
0xc0: {  	_ =	task.clear_ibuf [dreg:s6], $0x2FFFF;
	_ =	strace $0x9FFFFFFF  }
0xc1: {  	(tm) =	ssettm $0x7FFFFFFF  }
tec
execute0_lowered:
.L_overlay_start_1:
0x0: {  	(tag) =	ssettag $0x1  }
0x1: {  	s0 =	srdreg.scid;
	s5 =	rddreg [dreg:$0x0]  }
0x2: {  	s1 =	stileid.u32;
	s6 =	simm.s32 $0x1;
	s9 =	simm.s32 $0x1  }
0x3: {  	s10 =	simm.s32 $0x3;
	s13 =	simm.s32 $0x0;
	s2 =	sshll.u32 s0, $0xF  }
0x4: {  	s12 =	simm.s32 $0x0;
	s3 =	sshll.u32 s1, $0x10;
	s2 =	sand.u32 $0x8000, s2  }
0x5: {  	s0 =	rddreg [dreg:$0x1];
	_ =	strace $0x80000047;
	s2 =	sor.u32 s3, s2  }
0x6: {  	s4 =	sadd.s32 $0x3E200, s5;
	[sflag:s6] =	ssyncpa.u1 $0x0;
	s8 =	ssub.s32 $0x1C0000, s2  }
.Ltmp0:
0x7: {  	s3 =	sadd.s32 $0x194A00, s5;
	s7 =	sand.u32 $0xF8000, s8;
	(pc) =	sbr.rel .LBB2_1-.Ltmp0, $4  }
0x8: {  	s5 =	sadd.s32 $0x76200, s5;
	s11 =	smov.u32 s2;
	p0 =	sne.s32 s7, $0x0  }
0x9: {  	s8 =	sshrl.u32 s8, $0x14;
	s7 =	simm.s32 $0x2;
	s9 =	simm.s32 @!p0 $0x0  }
0xa: {  	[sflag:s7] =	ssyncpa.u1 $0x0;
	p0 =	por $0x0, $0x0;
	s8 =	sadd.s32 s9, s8  }
0xb: {  	vm0 =	vmmov $0xffff;
	[sflag:s10] =	ssyncpa.u1 $0x0;
	s10 =	simm.s32 $0x0;
	s9 =	sadd.s32 $0x1, s8  }
.LBB2_4:
0xc: {  	vm1 =	veq.s32 v4, $0x80000000;
	v55 =	vand.u32 $0x3FF, v4;
	v6 =	vand.u32 $0x1FFFF, v6  }
0xd: {  	v2 =	vor.u32 v2, v5;
	v58 =	vshrl.u32 v1, $0xA;
	v59 =	vand.u32 $0x3FF, v1  }
0xe: {  	v4 =	vsel vm1, $0xFFFFFFFF, v55;
	v6 =	vsel vm1, $0xFFFFFFFF, v6;
	v2 =	vor.u32 v3, v2  }
0xf: {  	vm1 =	veq.s32 v1, $0x80000000;
	v5 =	vand.u32 $0x1FFFF, v58;
	v7 =	vshrl.u32 v4, $0x3  }
0x10: {  	v56 =	vshll.u32 v6, $0x3;
	v4 =	vshll.u32 v4, $0x7;
	v1 =	vsel vm1, $0xFFFFFFFF, v59  }
0x11: {  	v5 =	vsel vm1, $0xFFFFFFFF, v5;
	v6 =	vand.u32 $0x7F, v6;
	v7 =	vmul.u32 $0xC4000, v7  }
0x12: {  	v57 =	vand.u32 $0xFFFFFC00, v56;
	v4 =	vand.u32 $0x380, v4;
	v60 =	vshrl.u32 v1, $0x3  }
0x13: {  	v61 =	vshll.u32 v5, $0x3;
	v3 =	vadd.s32 v7, v57;
	v7 =	vmul.u32 $0xC4000, v60  }
0x14: {  	v1 =	vshll.u32 v1, $0x7;
	v3 =	vor.u32 v4, v3;
	v4 =	vand.u32 $0xFFFFFC00, v61  }
0x15: {  	v1 =	vand.u32 $0x380, v1;
	v3 =	vor.u32 v6, v3;
	v4 =	vadd.s32 v7, v4  }
0x16: {  	[tilespmem:s16], [sflag:$0x1] =	stream.indirect_vreg.gather [hbm4b:s3+s10], $0x1, v0, vm0, $0x4038;
	v62 =	vand.u32 $0x7F, v5;
	v1 =	vor.u32 v1, v4;
	v63 =	vld [tilespmem:$0x0]  }
0x17: {  	s15 =	sadd.s32 $0x10, s15;
	(ifvalue) =	ssetifvalue $0x7FFFFFFF;
	v0 =	vor.u32 v62, v1  }
0x18: {  	[tilespmem:s15], [sflag:$0x1] =	stream.indirect_vreg.gather [hbm4b:s3+s10], $0x1, v2, vm0, $0x4038;
	v63 =	vld [tilespmem:$0x0]  }
0x19: {  	s15 =	sadd.s32 $0x10, s15;
	(ifvalue) =	ssetifvalue $0x7FFFFFFF  }
0x1a: {  	[tilespmem:s15], [sflag:$0x1] =	stream.indirect_vreg.gather [hbm4b:s3+s10], $0x1, v3, vm0, $0x4038;
	v63 =	vld [tilespmem:$0x0]  }
0x1b: {  	s15 =	sadd.s32 $0x10, s15;
	(ifvalue) =	ssetifvalue $0x7FFFFFFF  }
0x1c: {  	[tilespmem:s15], [sflag:$0x1] =	stream.indirect_vreg.gather [hbm4b:s3+s10], $0x1, v0, vm0, $0x4038;
	v63 =	vld [tilespmem:$0x0]  }
0x1d: {  	_ =	swait.ge [sflag:s6], $0x8000  }
0x1e: {  	s30 =	sshrl.u32 s13, $0x3;
	[sflag:s6] =	ssyncset.done $0x0  }
0x1f: {  	s31 =	sand.u32 $0x7, s13;
	s15 =	sadd.s32 s5, s30;
	[sflag:s6] =	ssyncadd.s32 $0xFFFF8000  }
0x20: {  	[hbm4b:s15+s31] =	stream.linear.scatter [tilespmem:s14], [sflag:$0x3], $0x8000, $0x38;
	v63 =	vld [tilespmem:$0x0]  }
.LBB2_5:
0x21: {  	s15 =	sadd.s32 $0x100000, s11  }
0x22: {  	p2 =	sgt.s32 s15, $0x1BFFFF  }
0x23: {  	s15 =	smov.u32 @p2 s2;
	p2 =	sne.s32 s12, s9  }
.Ltmp1:
0x24: {  	p1 =	slt.u32 s12, $0x2;
	(pc) =	sbr.rel @!p2 .LBB2_6-.Ltmp1, $4  }
0x25: {  	s14 =	simm.s32 @!p1 $0x3  }
0x26: {  	s16 =	sadd.s32 $0x1, s12;
	_ =	swait.ge @!p1 [sflag:s14], $0x8000  }
0x27: {  	s13 =	smov.u32 s11;
	p0 =	por !p0, !p0;
	[sflag:s14] =	ssyncset.done @!p1 $0x0  }
0x28: {  	s12 =	smov.u32 s16;
	s11 =	smov.u32 s15;
	[sflag:s14] =	ssyncadd.s32 @!p1 $0xFFFF8000  }
.LBB2_1:
0x29: {  	p1 =	sge.u32 s12, s8  }
0x2a: {  	s14 =	sxor.u32 @!p1 $0xFFFFFFFF, s12  }
0x2b: {  	s31 =	sadd.s32 $0xFFFFFFFF, s12;
	s15 =	sshrl.u32 @!p1 s11, $0x3;
	s14 =	sshll.u32 @!p1 s14, $0xF  }
0x2c: {  	s16 =	sand.u32 @!p1 $0x7, s11;
	s15 =	sadd.s32 @!p1 s4, s15;
	s14 =	sand.u32 @!p1 $0x8000, s14  }
0x2d: {  	[tilespmem:s14], [sflag:$0x2] =	stream.linear.gather @!p1 [hbm4b:s15+s16], $0x8000, $0x38;
	v63 =	vld [tilespmem:$0x0]  }
0x2e: {  	p1 =	sge.u32 s31, s8  }
.Ltmp2:
0x2f: {  	_ = 	snop;
	(pc) =	sbr.rel @p1 .LBB2_5-.Ltmp2, $1  }
0x30: {  	_ =	sdelay $0x3  }
0x31: {  	s14 =	simm.s32 $0x1  }
0x32: {  	_ =	swait.ge [sflag:s7], $0x8000;
	s14 =	simm.s32 @!p0 $0x0  }
0x33: {  	[sflag:s7] =	ssyncset.done $0x0;
	s14 =	sshll.u32 s14, $0xF  }
0x34: {  	[sflag:s7] =	ssyncadd.s32 $0xFFFF8000;
	(ifvalue) =	ssetifvalue $0x7FFFFFFF;
	v0 =	vld.msk [tilespmem:s14+$0x0 ss:$0x1], $0xffff  }
0x35: {  	s15 =	sadd.s32 $0x10, s14  }
0x36: {  	v1 =	vld.msk [tilespmem:s15+$0x0 ss:$0x1], $0xffff;
	_ =	sdelay $0x2  }
0x37: {  	v2 =	vshrl.u32 v0, $0xA  }
0x38: {  	vm1 =	veq.s32 v0, $0x80000000;
	v0 =	vand.u32 $0x3FF, v0;
	v2 =	vand.u32 $0x1FFFF, v2  }
0x39: {  	v0 =	vsel vm1, $0xFFFFFFFF, v0;
	v6 =	vshrl.u32 v1, $0xA;
	v2 =	vsel vm1, $0xFFFFFFFF, v2  }
0x3a: {  	v3 =	vshrl.u32 v0, $0x3;
	v0 =	vshll.u32 v0, $0x7;
	vm1 =	veq.s32 v1, $0x80000000  }
0x3b: {  	s15 =	sadd.s32 $0x10, s15;
	v1 =	vand.u32 $0x3FF, v1;
	v4 =	vshll.u32 v2, $0x3;
	v3 =	vmul.u32 $0xC4000, v3  }
0x3c: {  	v0 =	vand.u32 $0x380, v0;
	v7 =	vand.u32 $0x7F, v2;
	v5 =	vand.u32 $0xFFFFFC00, v4;
	v4 =	vld.msk [tilespmem:s15+$0x0 ss:$0x1], $0xffff  }
0x3d: {  	v1 =	vsel vm1, $0xFFFFFFFF, v1;
	v2 =	vadd.s32 v3, v5;
	v3 =	vand.u32 $0x1FFFF, v6  }
0x3e: {  	v3 =	vsel vm1, $0xFFFFFFFF, v3;
	v0 =	vor.u32 v0, v2;
	v2 =	vshrl.u32 v1, $0x3  }
0x3f: {  	s16 =	sshll.u32 s12, $0xF;
	s18 =	simm.s32 $0x30;
	v1 =	vshll.u32 v1, $0x7;
	v5 =	vshll.u32 v3, $0x3;
	v8 =	vmul.u32 $0xC4000, v2  }
0x40: {  	s31 =	sand.u32 $0x8000, s16;
	s17 =	sadd.s32 $0x10, s15;
	s15 =	sor.u32 $0x10000, s14;
	v2 =	vand.u32 $0x380, v1;
	v0 =	vor.u32 v7, v0;
	v5 =	vand.u32 $0xFFFFFC00, v5  }
0x41: {  	s14 =	sor.u32 $0x10000, s31;
	s16 =	smov.u32 s15;
	v1 =	vld.msk [tilespmem:s17+$0x0 ss:$0x1], $0xffff;
	v3 =	vand.u32 $0x7F, v3;
	(ifvalue) =	ssetifvalue $0x7FFFFFFF;
	v6 =	vshrl.u32 v4, $0xA;
	v5 =	vadd.s32 v8, v5  }
.LBB2_3:
0x42: {  	s18 =	sadd.s32 $0x10, s18  }
0x43: {  	vm1 =	veq.s32 v4, $0x80000000;
	v4 =	vand.u32 $0x3FF, v4;
	v6 =	vand.u32 $0x1FFFF, v6;
	s15 =	sadd.s32 $0x10, s15;
	p1 =	slt.u32 s18, $0x7FF0  }
.Ltmp3:
0x44: {  	v5 =	vor.u32 v2, v5;
	v4 =	vsel vm1, $0xFFFFFFFF, v4;
	v7 =	vsel vm1, $0xFFFFFFFF, v6;
	(pc) =	sbr.rel @p1 .LBB2_3-.Ltmp3, $4  }
0x45: {  	v2 =	vshrl.u32 v4, $0x3;
	v6 =	vshll.u32 v7, $0x3;
	v4 =	vshll.u32 v4, $0x7;
	[tilespmem:s16], [sflag:$0x1] =	stream.indirect_vreg.gather [hbm4b:s3+s10], $0x1, v0, vm0, $0x4038;
	v63 =	vld [tilespmem:$0x0]  }
0x46: {  	v0 =	vor.u32 v3, v5;
	s16 =	smov.u32 s15;
	v8 =	vmul.u32 $0xC4000, v2;
	v2 =	vand.u32 $0x380, v4  }
0x47: {  	s17 =	sadd.s32 $0x10, s17;
	v9 =	vand.u32 $0xFFFFFC00, v6  }
0x48: {  	v3 =	vand.u32 $0x7F, v7;
	v6 =	vshrl.u32 v1, $0xA;
	v5 =	vadd.s32 v8, v9;
	(ifvalue) =	ssetifvalue $0x7FFFFFFF;
	v4 =	vmovc v1;
	v1 =	vld.msk [tilespmem:s17+$0x0 ss:$0x1], $0xffff  }
.Ltmp4:
0x49: {  	_ = 	snop;
	(pc) =	sbr.rel .LBB2_4-.Ltmp4, $1  }
0x4a: {  	_ =	sdelay $0x3  }
.LBB2_6:
0x4b: {  	_ =	sfence.sel $0x180000  }
0x4c: {  	s2 =	simm.s32 $0x2;
	[bflag:$0x0] =	sbarrier.arrive $0xFFFF  }
0x4d: {  	s30 =	simm.s32 $0x3;
	[sflag:s2] =	ssyncpa.u1 $0x1  }
0x4e: {  	s31 =	simm.s32 $0x1;
	[sflag:s30] =	ssyncpa.u1 $0x1  }
0x4f: {  	[sflag:s31] =	ssyncpa.u1 $0x1  }
0x50: {  	p0 =	sne.s32 s1, $0x0;
	_ =	strace $0x90000047  }
0x51: {  	s0 =	sadd.s32 @!p0 $0x100000, s0;
	[bflag:$0x2] =	sbarrier.arrive $0xFFFF  }
0x52: {  	[sflag:s0] =	ssyncadd.tile.s32 @!p0 $0x1;
	_ =	shalt  }
.Lfunc_end2:
_tile_overlayer_lowered:
.L_overlay_start_2:
0x53: {  	(tag) =	ssettag $0x2  }
0x54: {  	s0 =	rddreg [dreg:$0x0];
	s2 =	stileid.u32  }
0x55: {  	s1 =	rddreg [dreg:$0x1];
	p0 =	sne.s32 s2, $0x0  }
0x56: {  	s3 =	rddreg [dreg:$0x2];
	[bflag:$0x3] =	sbarrier.arrive $0xFFFF;
	s2 =	simm.s32 @!p0 $0x1C01  }
0x57: {  	[timem:s3], [sflag:s2] =	dma.local @!p0 [hbm:s0], s1  }
0x58: {  	s0 =	simm.s32 @!p0 $0x1  }
0x59: {  	_ =	swait.ge @!p0 [sflag:s0], s1  }
0x5a: {  	s1 =	ssub.s32 @!p0 $0x0, s1;
	[sflag:s0] =	ssyncset.done @!p0 $0x0  }
0x5b: {  	[sflag:s0] =	ssyncadd.s32 @!p0 s1  }
0x5c: {  	[bflag:$0x3] =	sbarrier.arrive $0xFFFF  }
0x5d: {  	_ =	shalt  }

// kernel: kernel.8.cloned.1.call-start
scs
__scs_entry_jumppad:
0x0: {  	(pc) =	sbr.rel $0x88, $3  }
0x1: {  	(tag) =	ssettag $0x0;
	lr =	simm.s32 $0x1  }
0x2: {  	[smem:$0x3F7A] =	sst lr;
	_ =	strace $0xD0000000  }
0x3: {  	_ = 	snop  }
0x4: {  	_ = 	snop  }
0x5: {  	_ = 	snop  }
0x6: {  	_ = 	snop  }
0x7: {  	_ = 	snop  }
__scs_overlays_trampoline_lowered:
0x8: {  	[smem:$0x3F89] =	sst s0  }
0x9: {  	[smem:$0x3F8A] =	sst s1  }
0xa: {  	[smem:$0x3F8B] =	sst s2  }
0xb: {  	[smem:$0x3F8C] =	sst s3  }
0xc: {  	[smem:$0x3F8D] =	sst s4  }
0xd: {  	[smem:$0x3F8E] =	sst s5  }
0xe: {  	[smem:$0x3F8F] =	sst s6  }
0xf: {  	[smem:$0x3F90] =	sst s7  }
0x10: {  	[smem:$0x3F91] =	sst s8  }
0x11: {  	[smem:$0x3F92] =	sst s9;
	s0 =	simm.s32 @!p0 $0x0  }
0x12: {  	s1 =	sld [smem:$0x3F78];
	s0 =	simm.s32 @p0 $0x1  }
0x13: {  	[smem:$0x3F93] =	sst s0;
	s0 =	simm.s32 @!p1 $0x0  }
0x14: {  	s2 =	sld [smem:$0x3F77];
	s0 =	simm.s32 @p1 $0x1  }
0x15: {  	[smem:$0x3F94] =	sst s0;
	s0 =	simm.s32 @!p2 $0x0  }
0x16: {  	s3 =	sld [smem:$0x3FDB];
	s0 =	simm.s32 @p2 $0x1  }
0x17: {  	s4 =	simm.s32 $0x1BF5;
	[smem:$0x3F96] =	sst s0  }
0x18: {  	s0 =	sld [smem:$0x3F79];
	_ =	swait.ge [sflag:s4], $0x0  }
0x19: {  	s7 =	sld [smem:$0x3F7A]  }
0x1a: {  	s8 =	sadd.s32 $0xFFFFE003, lr  }
0x1b: {  	s9 =	sadd.s32 $0xFFFFFEF7, lr;
	s5 =	simm.s32 $0xFFFFFFFF;
	p2 =	slt.u32 s8, $0xFFFFF086  }
0x1c: {  	p1 =	slt.u32 s9, $0xF7A;
	s5 =	simm.s32 @!p2 $0x0  }
0x1d: {  	s5 =	simm.s32 @p1 $0x1;
	p0 =	seq.s32 s7, s2  }
0x1e: {  	s7 =	smul.u32 @!p0 $0xF7A, s2;
	p2 =	seq.s32 @!p0 s5, $0x0  }
0x1f: {  	s9 =	smul.u32 $0xF7A, s1;
	s8 =	simm.s32 @!p0 $0x1BF5;
	p2 =	por !p2, p0  }
0x20: {  	[sflag:s8] =	ssyncset.s32 @!p0 $0xFFFFF086;
	s6 =	sadd.s32 @!p0 s3, s7;
	s7 =	simm.s32 @!p0 $0x108  }
0x21: {  	s3 =	sadd.s32 s3, s9;
	s6 =	sadd.s32 @!p0 $0x88, s6;
	s7 =	simm.s32 @p2 $0x1082  }
0x22: {  	[simem:s7], [sflag:s8] =	dma.local @!p0 [hbm:s6], $0xF7A  }
0x23: {  	s9 =	sor.u32 $0xD0000000, s2;
	s6 =	simm.s32 $0x108;
	_ =	swait.ge @!p0 [sflag:s8], $0x0  }
0x24: {  	s3 =	sadd.s32 $0x88, s3;
	s6 =	simm.s32 @!p1 $0x1082;
	[sflag:s4] =	ssyncset.s32 $0xFFFFF086  }
0x25: {  	[simem:s6], [sflag:s4] =	dma.local [hbm:s3], $0xF7A  }
0x26: {  	[smem:$0x3F7A] =	sst s1;
	(tag) =	ssettag s2;
	_ =	strace s9  }
0x27: {  	s1 =	sld [smem:$0x3F8A]  }
0x28: {  	s2 =	sld [smem:$0x3F8B]  }
0x29: {  	s4 =	sld [smem:$0x3F8D]  }
0x2a: {  	p0 =	seq.s32 s5, $0x0;
	s5 =	sld [smem:$0x3F8E]  }
0x2b: {  	s6 =	sld [smem:$0x3F8F]  }
0x2c: {  	s7 =	sld [smem:$0x3F90]  }
0x2d: {  	s3 =	simm.s32 $0x108;
	s8 =	sld [smem:$0x3F91]  }
0x2e: {  	s3 =	simm.s32 @!p0 $0x1082;
	s9 =	sld [smem:$0x3F92]  }
0x2f: {  	lr =	sadd.s32 s0, s3;
	s0 =	sld [smem:$0x3F89]  }
0x30: {  	s3 =	sld [smem:$0x3F8C]  }
0x31: {  	[smem:$0x3F95] =	sst s10  }
0x32: {  	s10 =	sld [smem:$0x3F93];
	_ =	sdelay $0x3  }
0x33: {  	p0 =	seq.s32 s10, $0x1;
	s10 =	sld [smem:$0x3F95];
	_ =	sdelay $0x3  }
0x34: {  	[smem:$0x3F95] =	sst s10  }
0x35: {  	s10 =	sld [smem:$0x3F94];
	_ =	sdelay $0x3  }
0x36: {  	p1 =	seq.s32 s10, $0x1;
	s10 =	sld [smem:$0x3F95];
	_ =	sdelay $0x3  }
0x37: {  	[smem:$0x3F95] =	sst s10  }
0x38: {  	s10 =	sld [smem:$0x3F96]  }
0x39: {  	_ = 	snop;
	(pc) =	sbr.ind lr, $3  }
0x3a: {  	_ = 	snop  }
0x3b: {  	_ = 	snop  }
0x3c: {  	p2 =	seq.s32 s10, $0x1;
	s10 =	sld [smem:$0x3F95]  }
0x3d: {  	_ =	shalt  }
0x3e: {  	_ =	shalt  }
0x3f: {  	_ =	shalt  }
0x40: {  	_ =	shalt  }
0x41: {  	_ =	shalt  }
0x42: {  	_ =	shalt  }
0x43: {  	_ =	shalt  }
0x44: {  	_ =	shalt  }
0x45: {  	_ =	shalt  }
0x46: {  	_ =	shalt  }
0x47: {  	_ =	shalt  }
0x48: {  	_ =	shalt  }
0x49: {  	_ =	shalt  }
0x4a: {  	_ =	shalt  }
0x4b: {  	_ =	shalt  }
0x4c: {  	_ =	shalt  }
0x4d: {  	_ =	shalt  }
0x4e: {  	_ =	shalt  }
0x4f: {  	_ =	shalt  }
0x50: {  	_ =	shalt  }
0x51: {  	_ =	shalt  }
0x52: {  	_ =	shalt  }
0x53: {  	_ =	shalt  }
0x54: {  	_ =	shalt  }
0x55: {  	_ =	shalt  }
0x56: {  	_ =	shalt  }
0x57: {  	_ =	shalt  }
0x58: {  	_ =	shalt  }
0x59: {  	_ =	shalt  }
0x5a: {  	_ =	shalt  }
0x5b: {  	_ =	shalt  }
0x5c: {  	_ =	shalt  }
0x5d: {  	_ =	shalt  }
0x5e: {  	_ =	shalt  }
0x5f: {  	_ =	shalt  }
0x60: {  	_ =	shalt  }
0x61: {  	_ =	shalt  }
0x62: {  	_ =	shalt  }
0x63: {  	_ =	shalt  }
0x64: {  	_ =	shalt  }
0x65: {  	_ =	shalt  }
0x66: {  	_ =	shalt  }
0x67: {  	_ =	shalt  }
0x68: {  	_ =	shalt  }
0x69: {  	_ =	shalt  }
0x6a: {  	_ =	shalt  }
0x6b: {  	_ =	shalt  }
0x6c: {  	_ =	shalt  }
0x6d: {  	_ =	shalt  }
0x6e: {  	_ =	shalt  }
0x6f: {  	_ =	shalt  }
0x70: {  	_ =	shalt  }
0x71: {  	_ =	shalt  }
0x72: {  	_ =	shalt  }
0x73: {  	_ =	shalt  }
0x74: {  	_ =	shalt  }
0x75: {  	_ =	shalt  }
0x76: {  	_ =	shalt  }
0x77: {  	_ =	shalt  }
0x78: {  	_ =	shalt  }
0x79: {  	_ =	shalt  }
0x7a: {  	_ =	shalt  }
0x7b: {  	_ =	shalt  }
0x7c: {  	_ =	shalt  }
0x7d: {  	_ =	shalt  }
0x7e: {  	_ =	shalt  }
0x7f: {  	_ =	shalt  }
0x80: {  	_ =	shalt  }
0x81: {  	_ =	shalt  }
0x82: {  	_ =	shalt  }
0x83: {  	_ =	shalt  }
0x84: {  	_ =	shalt  }
0x85: {  	_ =	shalt  }
0x86: {  	_ =	shalt  }
0x87: {  	_ =	shalt  }
.Lfunc_end0:
.L_simem_size_0:
called_computation.1_lowered:
.L_overlay_start_0:
0x88: {  	s2 =	sld [smem:$0x3FD9]  }
0x89: {  	s3 =	sld [smem:$0x3FFE];
	_ =	sdelay $0x1  }
0x8a: {  	s1 =	srdreg.scid  }
0x8b: {  	s0 =	sand.u32 $0x1, s1  }
0x8c: {  	s16 =	sshll.u32 s0, $0xA;
	s2 =	sadd.s32 s3, s2  }
0x8d: {  	s2 =	sadd.s32 s2, s16  }
0x8e: {  	[smem:$0x3FA1] =	sst s2  }
0x8f: {  	_ = 	snop  }
0x90: {  	(tm) =	ssettm $0x1  }
0x91: {  	s17 =	sld [smem:$0x3FFB];
	_ =	sdelay $0x3  }
0x92: {  	_ =	strace s17  }
0x93: {  	s2 =	sld [smem:$0x3FFC];
	_ =	sdelay $0x3  }
0x94: {  	_ =	strace s2  }
0x95: {  	s2 =	sld [smem:$0x3FFD];
	_ =	sdelay $0x3  }
0x96: {  	_ =	strace s2  }
0x97: {  	_ =	strace $0x8FFFFFFF  }
0x98: {  	s18 =	sld [smem:$0x3FDB];
	_ =	sdelay $0x1  }
0x99: {  	s19 =	simm.s32 $_scs_section_size  }
0x9a: {  	s4 =	simm.s32 $_size__tile_overlayer_lowered;
	s5 =	simm.s32 $_tile_overlayer_lowered  }
0x9b: {  	s22 =	simm.s32 $0x1BFF;
	s21 =	sshll.u32 s5, $0x1;
	s2 =	sadd.s32 s19, s18  }
0x9c: {  	s6 =	simm.s32 $0x0;
	s20 =	sshll.u32 s4, $0x1;
	s4 =	sadd.s32 s21, s2  }
0x9d: {  	[timem:s6], [sflag:s22] =	dma.local [hbm:s4], s20  }
0x9e: {  	_ =	swait.ge [sflag:s22], s20  }
0x9f: {  	s3 =	ssub.s32 $0x0, s20;
	[sflag:s22] =	ssyncset.done $0x0  }
0xa0: {  	[sflag:s22] =	ssyncadd.s32 s3;
	_ =	sdelay $0x1  }
0xa1: {  	s23 =	simm.s32 $0x1B8B  }
0xa2: {  	_ =	swait.ge [sflag:s23], $0x1  }
0xa3: {  	[sflag:s23] =	ssyncset.done $0x0  }
0xa4: {  	s25 =	simm.s32 $0x1B8E;
	s24 =	sld [smem:$0x3FFE];
	[sflag:s23] =	ssyncadd.s32 $0xFFFFFFFF  }
0xa5: {  	s26 =	simm.s32 $execute0_lowered;
	[smem:$0x3FD2] =	sst s25  }
0xa6: {  	s4 =	sshll.u32 s26, $0x1;
	_ =	strace $0x80000049;
	[dreg:$0x1] =	wrdreg $0xFFFFFFFF  }
0xa7: {  	s28 =	simm.s32 $_size_execute0_lowered;
	s2 =	sadd.s32 s2, s4;
	[dreg:$0x0] =	wrdreg $0x0  }
0xa8: {  	s4 =	sshll.u32 s28, $0x1;
	[dreg:$0x2] =	wrdreg s2  }
0xa9: {  	[dreg:$0x3] =	wrdreg s4  }
0xaa: {  	[dreg:$0x4] =	wrdreg $0xC0  }
0xab: {  	_ =	task [dreg:s6], $0x5FFFF  }
0xac: {  	[dreg:$0x1] =	wrdreg $0xFFFFFFFF  }
0xad: {  	[dreg:$0x0] =	wrdreg $0x60  }
0xae: {  	[dreg:$0x2] =	wrdreg s24  }
0xaf: {  	[dreg:$0x3] =	wrdreg $0x9  }
0xb0: {  	_ =	task.clear_ibuf [dreg:s6], $0x4FFFF;
	_ =	strace $0x90000049  }
0xb1: {  	s29 =	simm.s32 $0x9;
	_ =	strace $0x8000004B  }
0xb2: {  	_ =	swait.ge [sflag:s29], $0x1  }
0xb3: {  	[sflag:s29] =	ssyncadd.s32 $0xFFFFFFFF  }
0xb4: {  	_ =	strace $0x9000004B  }
0xb5: {  	_ =	sfence  }
0xb6: {  	s30 =	sld [smem:$0x0];
	_ =	sdelay $0x2  }
0xb7: {  	s31 =	sshll.u32 s1, $0xD;
	s1 =	sshrl.u32 s1, $0x2  }
0xb8: {  	s3 =	sand.u32 $0x4000, s31;
	s1 =	sadd.s32 s1, s30  }
0xb9: {  	s0 =	sor.u32 s3, s0;
	s1 =	sshll.u32 s1, $0x11  }
0xba: {  	s0 =	sor.u32 s1, s0  }
0xbb: {  	s0 =	sadd.s32 $0x8F2B, s0  }
0xbc: {  	[sflag:s0] =	ssyncadd.remote.s32 $0x1  }
0xbd: {  	_ =	sfence.sel $0xFFFF  }
0xbe: {  	[dreg:$0x0] =	wrdreg $0xFFFFFFFF;
	(pc) =	sbr.abs _section_cstart, $3  }
0xbf: {  	[dreg:$0x1] =	wrdreg $0xFFFFFFFF  }
0xc0: {  	_ =	task.clear_ibuf [dreg:s6], $0x2FFFF;
	_ =	strace $0x9FFFFFFF  }
0xc1: {  	(tm) =	ssettm $0x7FFFFFFF  }
tec
execute0_lowered:
.L_overlay_start_1:
0x0: {  	(tag) =	ssettag $0x1  }
0x1: {  	s4 =	rddreg [dreg:$0x0]  }
0x2: {  	s0 =	rddreg [dreg:$0x1];
	s2 =	simm.s32 $0x0;
	s3 =	srdreg.scid  }
0x3: {  	s1 =	stileid.u32;
	s10 =	simm.s32 $0x1080;
	s11 =	simm.s32 $0x1880  }
0x4: {  	s12 =	simm.s32 $0x2080;
	s13 =	simm.s32 $0x2880;
	s14 =	simm.s32 $0x3080  }
0x5: {  	s15 =	simm.s32 $0x3880;
	s16 =	simm.s32 $0x4080;
	s17 =	simm.s32 $0x4880  }
0x6: {  	s18 =	simm.s32 $0x1;
	s19 =	simm.s32 $0x0;
	s6 =	smul.u32 $0xC80, s1  }
0x7: {  	[smem:$0x7FF] =	sst s2;
	s5 =	sand.u32 $0x1, s3;
	s8 =	smul.u32 $0x19000, s1  }
0x8: {  	s3 =	sadd.s32 $0xDD4A00, s4;
	s7 =	smul.u32 $0x640, s5;
	s9 =	ssub.s32 $0x2, s5  }
0x9: {  	_ =	strace $0x8000004A;
	s5 =	smul.u32 $0xC800, s5;
	s31 =	sshrl.u32 s9, $0x1  }
0xa: {  	s8 =	sadd.s32 s8, s4;
	s6 =	sadd.s32 s7, s6;
	s7 =	ssub.s32 s9, s31  }
0xb: {  	v2 =	vlaneseq.u32;
	s5 =	sadd.s32 s5, s8;
	s8 =	simm.s32 $0x80;
	s6 =	sshrl.u32 s6, $0x3  }
0xc: {  	vm0 =	vmmov $0xffff;
	v1 =	vshrl.u32 v2, $0x3;
	s9 =	simm.s32 $0x880;
	s5 =	sadd.s32 $0x194A00, s5;
	s6 =	sadd.s32 s6, s4  }
0xd: {  	v0 =	vand.u32 $0x7, v2;
	v2 =	vor.u32 $0x8, v2;
	v1 =	vmul.u32 $0x8, v1;
	s4 =	smax.u32 s7, $0x1;
	s7 =	simm.s32 $0x2;
	s6 =	sadd.s32 $0x6000, s6  }
.LBB2_1:
0xe: {  	s20 =	smov.u32 s5;
	s21 =	simm.s32 $0x0  }
.LBB2_2:
0xf: {  	s22 =	sadd.s32 s21, s6  }
0x10: {  	[tilespmem:s2], [sflag:$0x2] =	stream.linear.gather [hbm4b:s22+s2], $0x50, $0x38;
	[tilespmem:$0x5080] =	vst v63  }
0x11: {  	_ =	swait.ge [sflag:s7], $0x50  }
0x12: {  	[sflag:s7] =	ssyncset.done $0x0  }
0x13: {  	[sflag:s7] =	ssyncadd.s32 $0xFFFFFFB0  }
0x14: {  	v3 =	vld [tilespmem:$0x0];
	_ =	sdelay $0x4  }
0x15: {  	v4 =	vshll.u32 v3, $0x1  }
0x16: {  	v3 =	vand.u32 $0x7, v3;
	v4 =	vand.u32 $0xFFFFFFF0, v4  }
0x17: {  	v3 =	vor.u32 v3, v4  }
0x18: {  	v4 =	vperm.xlane v3, v0;
	_ =	sdelay $0x1  }
0x19: {  	v3 =	vperm.xlane v3, v2;
	v4 =	vadd.s32 v1, v4;
	_ =	sdelay $0x1  }
0x1a: {  	v3 =	vadd.s32 v1, v3;
	_ =	sdelay $0x2  }
0x1b: {  	[tilespmem:s8], [sflag:$0x1] =	stream.indirect_vreg.gather [hbm4b:s3+s2], $0x80, v4, vm0, $0xb8;
	[tilespmem:$0x5080] =	vst v63  }
0x1c: {  	_ = 	snop  }
0x1d: {  	[tilespmem:s9], [sflag:$0x1] =	stream.indirect_vreg.gather [hbm4b:s3+s2], $0x80, v3, vm0, $0xb8;
	[tilespmem:$0x5080] =	vst v63  }
0x1e: {  	v3 =	vld [tilespmem:$0x10];
	_ =	sdelay $0x4  }
0x1f: {  	v60 =	vshll.u32 v3, $0x1  }
0x20: {  	v3 =	vand.u32 $0x7, v3;
	v4 =	vand.u32 $0xFFFFFFF0, v60  }
0x21: {  	v3 =	vor.u32 v3, v4  }
0x22: {  	v4 =	vperm.xlane v3, v0;
	_ =	sdelay $0x1  }
0x23: {  	v3 =	vperm.xlane v3, v2;
	v4 =	vadd.s32 v1, v4;
	_ =	sdelay $0x1  }
0x24: {  	v3 =	vadd.s32 v1, v3;
	_ =	sdelay $0x2  }
0x25: {  	[tilespmem:s10], [sflag:$0x1] =	stream.indirect_vreg.gather [hbm4b:s3+s2], $0x80, v4, vm0, $0xb8;
	[tilespmem:$0x5080] =	vst v63  }
0x26: {  	_ = 	snop  }
0x27: {  	[tilespmem:s11], [sflag:$0x1] =	stream.indirect_vreg.gather [hbm4b:s3+s2], $0x80, v3, vm0, $0xb8;
	[tilespmem:$0x5080] =	vst v63  }
0x28: {  	v3 =	vld [tilespmem:$0x20];
	_ =	sdelay $0x4  }
0x29: {  	v61 =	vshll.u32 v3, $0x1  }
0x2a: {  	v3 =	vand.u32 $0x7, v3;
	v4 =	vand.u32 $0xFFFFFFF0, v61  }
0x2b: {  	v3 =	vor.u32 v3, v4  }
0x2c: {  	v4 =	vperm.xlane v3, v0;
	_ =	sdelay $0x1  }
0x2d: {  	v3 =	vperm.xlane v3, v2;
	v4 =	vadd.s32 v1, v4;
	_ =	sdelay $0x1  }
0x2e: {  	v3 =	vadd.s32 v1, v3;
	_ =	sdelay $0x2  }
0x2f: {  	[tilespmem:s12], [sflag:$0x1] =	stream.indirect_vreg.gather [hbm4b:s3+s2], $0x80, v4, vm0, $0xb8;
	[tilespmem:$0x5080] =	vst v63  }
0x30: {  	_ = 	snop  }
0x31: {  	[tilespmem:s13], [sflag:$0x1] =	stream.indirect_vreg.gather [hbm4b:s3+s2], $0x80, v3, vm0, $0xb8;
	[tilespmem:$0x5080] =	vst v63  }
0x32: {  	v3 =	vld [tilespmem:$0x30];
	_ =	sdelay $0x4  }
0x33: {  	v62 =	vshll.u32 v3, $0x1  }
0x34: {  	v3 =	vand.u32 $0x7, v3;
	v4 =	vand.u32 $0xFFFFFFF0, v62  }
0x35: {  	v3 =	vor.u32 v3, v4  }
0x36: {  	v4 =	vperm.xlane v3, v0;
	_ =	sdelay $0x1  }
0x37: {  	v3 =	vperm.xlane v3, v2;
	v4 =	vadd.s32 v1, v4;
	_ =	sdelay $0x1  }
0x38: {  	v3 =	vadd.s32 v1, v3;
	_ =	sdelay $0x2  }
0x39: {  	[tilespmem:s14], [sflag:$0x1] =	stream.indirect_vreg.gather [hbm4b:s3+s2], $0x80, v4, vm0, $0xb8;
	[tilespmem:$0x5080] =	vst v63  }
0x3a: {  	_ = 	snop  }
0x3b: {  	[tilespmem:s15], [sflag:$0x1] =	stream.indirect_vreg.gather [hbm4b:s3+s2], $0x80, v3, vm0, $0xb8;
	[tilespmem:$0x5080] =	vst v63  }
0x3c: {  	v3 =	vld [tilespmem:$0x40];
	_ =	sdelay $0x4  }
0x3d: {  	v63 =	vshll.u32 v3, $0x1  }
0x3e: {  	v3 =	vand.u32 $0x7, v3;
	v4 =	vand.u32 $0xFFFFFFF0, v63  }
0x3f: {  	v3 =	vor.u32 v3, v4  }
0x40: {  	v4 =	vperm.xlane v3, v0;
	_ =	sdelay $0x1  }
0x41: {  	v3 =	vperm.xlane v3, v2;
	v4 =	vadd.s32 v1, v4;
	_ =	sdelay $0x1  }
0x42: {  	v3 =	vadd.s32 v1, v3;
	_ =	sdelay $0x2  }
0x43: {  	[tilespmem:s16], [sflag:$0x1] =	stream.indirect_vreg.gather [hbm4b:s3+s2], $0x80, v4, vm0, $0xb8;
	[tilespmem:$0x5080] =	vst v63  }
0x44: {  	_ = 	snop  }
0x45: {  	[tilespmem:s17], [sflag:$0x1] =	stream.indirect_vreg.gather [hbm4b:s3+s2], $0x80, v3, vm0, $0xb8;
	[tilespmem:$0x5080] =	vst v63  }
0x46: {  	_ =	swait.ge [sflag:s18], $0x5000  }
0x47: {  	p0 =	sne.s32 s21, $0xBE;
	[sflag:s18] =	ssyncset.done $0x0  }
.Ltmp0:
0x48: {  	[sflag:s18] =	ssyncadd.s32 $0xFFFFB000;
	(pc) =	sbr.rel @p0 .LBB2_2-.Ltmp0, $4  }
0x49: {  	[hbm4b:s20+s2] =	stream.linear.scatter [tilespmem:s8], [sflag:$0x2], $0x5000, $0x38;
	[tilespmem:$0x5080] =	vst v63  }
0x4a: {  	_ =	swait.ge [sflag:s7], $0x5000  }
0x4b: {  	[sflag:s7] =	ssyncset.done $0x0  }
0x4c: {  	s21 =	sadd.s32 $0xA, s21;
	s20 =	sadd.s32 $0xA00, s20;
	[sflag:s7] =	ssyncadd.s32 $0xFFFFB000  }
0x4d: {  	s19 =	sadd.s32 $0x1, s19  }
0x4e: {  	p0 =	sne.s32 s19, s4  }
.Ltmp1:
0x4f: {  	_ = 	snop;
	(pc) =	sbr.rel @p0 .LBB2_1-.Ltmp1, $1  }
0x50: {  	_ =	sdelay $0x3  }
0x51: {  	_ =	sfence.sel $0x180000  }
0x52: {  	[bflag:$0x0] =	sbarrier.arrive $0xFFFF  }
0x53: {  	p0 =	sne.s32 s1, $0x0;
	_ =	strace $0x9000004A  }
0x54: {  	s0 =	sadd.s32 @!p0 $0x100000, s0;
	[bflag:$0x2] =	sbarrier.arrive $0xFFFF  }
0x55: {  	[sflag:s0] =	ssyncadd.tile.s32 @!p0 $0x1;
	_ =	shalt  }
.Lfunc_end2:
_tile_overlayer_lowered:
.L_overlay_start_2:
0x56: {  	(tag) =	ssettag $0x2  }
0x57: {  	s0 =	rddreg [dreg:$0x0];
	s2 =	stileid.u32  }
0x58: {  	s1 =	rddreg [dreg:$0x1];
	p0 =	sne.s32 s2, $0x0  }
0x59: {  	s3 =	rddreg [dreg:$0x2];
	[bflag:$0x3] =	sbarrier.arrive $0xFFFF;
	s2 =	simm.s32 @!p0 $0x1C02  }
0x5a: {  	[timem:s3], [sflag:s2] =	dma.local @!p0 [hbm:s0], s1  }
0x5b: {  	s0 =	simm.s32 @!p0 $0x2  }
0x5c: {  	_ =	swait.ge @!p0 [sflag:s0], s1  }
0x5d: {  	s1 =	ssub.s32 @!p0 $0x0, s1;
	[sflag:s0] =	ssyncset.done @!p0 $0x0  }
0x5e: {  	[sflag:s0] =	ssyncadd.s32 @!p0 s1  }
0x5f: {  	[bflag:$0x3] =	sbarrier.arrive $0xFFFF  }
0x60: {  	_ =	shalt  }

</sc_bundles>
